<compile_context>
chip_gen: v7x
topology: tpu7x:2x2x1
jax: 0.10.2.dev20260603
libtpu: 0.0.44.dev20260713+nightly
codegen_flags: <defaults>
</compile_context>

<pallas_src>
import functools

import jax
import jax.numpy as jnp
from jax import lax
from jax.experimental import pallas as pl
from jax.experimental.pallas import tpu as pltpu
from jax.experimental.pallas import tpu_sc as plsc

_H = 128
_D = 64
_V = 1024


def _pos_encoding(seq_len, d_model):
    pos = jnp.arange(seq_len, dtype=jnp.float32)[:, None]
    dim = jnp.arange(0, d_model, 2, dtype=jnp.float32)
    angle = pos / jnp.power(10000.0, dim / float(d_model))
    res = jnp.zeros((seq_len, d_model), dtype=jnp.float32)
    res = res.at[:, 0::2].set(jnp.sin(angle))
    res = res.at[:, 1::2].set(jnp.cos(angle))
    return res


def kernel(target, Wx, Wy):
    B, T, N, _ = target.shape
    K = B * N * T * 2
    P = 2 * T

    ws = jnp.concatenate([Wx, Wy], axis=0)
    pe2 = _pos_encoding(T, _H).reshape(P, _D)
    flat_idx = (
        jnp.transpose(target, (0, 2, 1, 3))
        + jnp.array([0, _V], dtype=target.dtype)
    ).reshape(K).astype(jnp.int32)

    info = plsc.get_sparse_core_info()
    nw = info.num_cores * info.num_subcores
    per_w = K // nw
    ch = 2 * P
    n_ch = per_w // ch
    nbuf = 2

    mesh = plsc.VectorSubcoreMesh(core_axis_name="c", subcore_axis_name="s")

    @functools.partial(
        pl.kernel,
        out_type=jax.ShapeDtypeStruct((K, _D), jnp.float32),
        mesh=mesh,
        compiler_params=pltpu.CompilerParams(
            use_tc_tiling_on_sc=False, needs_layout_passes=False),
        scratch_types=(
            [pltpu.VMEM((per_w,), jnp.int32)]
            + [pltpu.VMEM((ch, _D), jnp.float32) for _ in range(nbuf)]
            + [pltpu.VMEM((ch, _D), jnp.float32) for _ in range(nbuf)]
            + [pltpu.VMEM((P, _D), jnp.float32)]
            + [pltpu.SemaphoreType.DMA for _ in range(2 * nbuf)]
        ),
    )
    def emb_kernel(ws_hbm, idx_hbm, pe_hbm, out_hbm, *refs):
        idx_v = refs[0]
        gbuf = refs[1:1 + nbuf]
        obuf = refs[1 + nbuf:1 + 2 * nbuf]
        pe_v = refs[1 + 2 * nbuf]
        gsem = refs[2 + 2 * nbuf:2 + 3 * nbuf]
        wsem = refs[2 + 3 * nbuf:]

        wid = lax.axis_index("s") * info.num_cores + lax.axis_index("c")
        base = wid * per_w
        pltpu.sync_copy(idx_hbm.at[pl.ds(base, per_w)], idx_v)
        pltpu.sync_copy(pe_hbm, pe_v)

        def start_gather(ci, b):
            pltpu.async_copy(
                ws_hbm.at[idx_v.at[pl.ds(ci * ch, ch)]], gbuf[b], gsem[b])

        def wait_write(ci, b):
            pltpu.make_async_copy(
                obuf[b], out_hbm.at[pl.ds(base + ci * ch, ch)], wsem[b]).wait()

        for b in range(nbuf):
            start_gather(b, b)

        @pl.loop(0, n_ch // nbuf)
        def _ring(g):
            for b in range(nbuf):
                ci = g * nbuf + b
                pltpu.make_async_copy(
                    ws_hbm.at[idx_v.at[pl.ds(ci * ch, ch)]], gbuf[b],
                    gsem[b]).wait()

                @pl.when(ci >= nbuf)
                def _drain():
                    wait_write(ci - nbuf, b)

                for rep in range(ch // P):
                    @pl.loop(0, P)
                    def _row(r):
                        for q in range(_D // 16):
                            sl = pl.ds(q * 16, 16)
                            obuf[b][rep * P + r, sl] = (
                                gbuf[b][rep * P + r, sl] + pe_v[r, sl])

                pltpu.async_copy(
                    obuf[b], out_hbm.at[pl.ds(base + ci * ch, ch)], wsem[b])

                @pl.when(ci + nbuf < n_ch)
                def _next():
                    start_gather(ci + nbuf, b)

        for b in range(nbuf):
            wait_write(n_ch - nbuf + b, b)

    out = emb_kernel(ws, flat_idx, pe2)
    return out.reshape(B * N, T, _H)

# --- scband reference (transcript-rebuilt; emitter-appended) ---
"""Pipeline reference for scband-target-emb-86139864088593 (READ-ONLY COPY).

The authoritative reference and input builder live on the scoring server;
editing this copy changes nothing except your own understanding.
"""

import jax, jax.numpy as jnp
import numpy as np

HIDDEN = 128

def positional_encoding(seq_len, d_model):
    pos = jnp.arange(seq_len, dtype=jnp.float32)[:, None]
    dim = jnp.arange(0, d_model, 2, dtype=jnp.float32)
    angle = pos / jnp.power(10000.0, dim / float(d_model))
    res = jnp.zeros((seq_len, d_model), dtype=jnp.float32)
    res = res.at[:, 0::2].set(jnp.sin(angle))
    res = res.at[:, 1::2].set(jnp.cos(angle))
    return res

def setup_inputs(seed: int = 0):
    key = jax.random.key(seed)
    k1, k2, k3 = jax.random.split(key, 3)
    target = jax.random.randint(k1, (128, 100, 16, 2), 0, 1024, dtype=jnp.int32)
    Wx = jax.random.normal(k2, (1024, HIDDEN // 2), dtype=jnp.float32)
    Wy = jax.random.normal(k3, (1024, HIDDEN // 2), dtype=jnp.float32)
    # padding_idx=0: row 0 is zeros
    Wx = Wx.at[0].set(0.0)
    Wy = Wy.at[0].set(0.0)
    return {"target": target, "Wx": Wx, "Wy": Wy}

def reference(target, Wx, Wy):
    idx_x = target[..., 0]
    idx_y = target[..., 1]
    # gather; padding_idx=0 semantics: embedding of idx 0 is zero
    embx = jnp.take(Wx, idx_x, axis=0) * (idx_x != 0).astype(jnp.float32)[..., None]
    emby = jnp.take(Wy, idx_y, axis=0) * (idx_y != 0).astype(jnp.float32)[..., None]
    embxy = jnp.concatenate((embx, emby), axis=-1)  # [B, T, N, H]
    B, T, N, H = embxy.shape
    embxy = jnp.transpose(embxy, (0, 2, 1, 3)).reshape(-1, T, H)  # [B*N, T, H]
    pe = positional_encoding(T, H)
    return embxy + pe[None, :, :]

if __name__ == "__main__":
    import jax
    _d = setup_inputs()
    print(jax.jit(kernel)(*tuple(_d.values())))

</pallas_src>

<mosaic_0001>
#map = affine_map<(d0, d1) -> (0, 0)>
#map1 = affine_map<(d0, d1) -> (0)>
module attributes {stable_mosaic.version = 14 : i64} {
  func.func @emb_kernel(%arg0: i32, %arg1: i32, %arg2: memref<2048x64xf32, #tpu.memory_space<hbm>>, %arg3: memref<409600xi32, #tpu.memory_space<hbm>>, %arg4: memref<200x64xf32, #tpu.memory_space<hbm>>, %arg5: memref<409600x64xf32, #tpu.memory_space<hbm>>, %arg6: memref<12800xi32, #tpu.memory_space<vmem>>, %arg7: memref<400x64xf32, #tpu.memory_space<vmem>>, %arg8: memref<400x64xf32, #tpu.memory_space<vmem>>, %arg9: memref<400x64xf32, #tpu.memory_space<vmem>>, %arg10: memref<400x64xf32, #tpu.memory_space<vmem>>, %arg11: memref<200x64xf32, #tpu.memory_space<vmem>>, %arg12: memref<!tpu.dma_semaphore, #tpu.memory_space<semaphore_mem>>, %arg13: memref<!tpu.dma_semaphore, #tpu.memory_space<semaphore_mem>>, %arg14: memref<!tpu.dma_semaphore, #tpu.memory_space<semaphore_mem>>, %arg15: memref<!tpu.dma_semaphore, #tpu.memory_space<semaphore_mem>>) attributes {dimension_semantics = [#tpu.dimension_semantics<core_parallel>, #tpu.dimension_semantics<subcore_parallel>], iteration_bounds = array<i64: 2, 16>, scalar_prefetch = 0 : i64, scratch_operands = 10 : i64, tpu.core_type = #tpu.core_type<sc_vector_subcore>, window_params = [{transform_indices = #map}, {transform_indices = #map1}, {transform_indices = #map}, {transform_indices = #map}]} {
    %mul3A = arith.constant 2 : i32
    %mul3A_0 = arith.muli %arg1, %mul3A : i32
    %add3A = arith.addi %mul3A_0, %arg0 : i32
    %mul3A_1 = arith.constant 12800 : i32
    %mul3A_2 = arith.muli %add3A, %mul3A_1 : i32
    "tpu.region"() ({
      %run_scoped3A = tpu.sem_alloc : memref<!tpu.dma_semaphore, #tpu.memory_space<semaphore_mem>>
      %dma_start3A_27 = tpu.memref_slice %arg3[%mul3A_2] : memref<409600xi32, #tpu.memory_space<hbm>> -> memref<12800xi32, #tpu.memory_space<hbm>>
      %dma_start3A_28 = tpu.memref_slice %arg3[%mul3A_2] : memref<409600xi32, #tpu.memory_space<hbm>> -> memref<12800xi32, #tpu.memory_space<hbm>>
      tpu.enqueue_dma source(%dma_start3A_28 : memref<12800xi32, #tpu.memory_space<hbm>>) target(%arg6 : memref<12800xi32, #tpu.memory_space<vmem>>) target_semaphore(%run_scoped3A : memref<!tpu.dma_semaphore, #tpu.memory_space<semaphore_mem>>)
      %dma_wait3A_29 = tpu.memref_slice %arg3[%mul3A_2] : memref<409600xi32, #tpu.memory_space<hbm>> -> memref<12800xi32, #tpu.memory_space<hbm>>
      %dma_wait3A_30 = tpu.memref_slice %arg3[%mul3A_2] : memref<409600xi32, #tpu.memory_space<hbm>> -> memref<12800xi32, #tpu.memory_space<hbm>>
      tpu.wait_dma2 semaphore(%run_scoped3A : memref<!tpu.dma_semaphore, #tpu.memory_space<semaphore_mem>>) src(%dma_wait3A_30 : memref<12800xi32, #tpu.memory_space<hbm>>) dst(%arg6 : memref<12800xi32, #tpu.memory_space<vmem>>)
      tpu.yield
    }) : () -> ()
    "tpu.region"() ({
      %run_scoped3A = tpu.sem_alloc : memref<!tpu.dma_semaphore, #tpu.memory_space<semaphore_mem>>
      tpu.enqueue_dma source(%arg4 : memref<200x64xf32, #tpu.memory_space<hbm>>) target(%arg11 : memref<200x64xf32, #tpu.memory_space<vmem>>) target_semaphore(%run_scoped3A : memref<!tpu.dma_semaphore, #tpu.memory_space<semaphore_mem>>)
      tpu.wait_dma2 semaphore(%run_scoped3A : memref<!tpu.dma_semaphore, #tpu.memory_space<semaphore_mem>>) src(%arg4 : memref<200x64xf32, #tpu.memory_space<hbm>>) dst(%arg11 : memref<200x64xf32, #tpu.memory_space<vmem>>)
      tpu.yield
    }) : () -> ()
    %dma_start3A = arith.constant 0 : i32
    %dma_start3A_3 = tpu.memref_slice %arg6[%dma_start3A] : memref<12800xi32, #tpu.memory_space<vmem>> -> memref<400xi32, #tpu.memory_space<vmem>>
    %dma_start3A_4 = arith.constant 0 : i32
    %dma_start3A_5 = arith.constant 0 : i32
    %dma_start3A_6 = tpu.memref_slice %arg2[%dma_start3A_4, %dma_start3A_5] : memref<2048x64xf32, #tpu.memory_space<hbm>> -> memref<2048x64xf32, #tpu.memory_space<hbm>>
    tpu.enqueue_indirect_dma source(%dma_start3A_6 : memref<2048x64xf32, #tpu.memory_space<hbm>>) target(%arg7 : memref<400x64xf32, #tpu.memory_space<vmem>>) offsets(%dma_start3A_3 : memref<400xi32, #tpu.memory_space<vmem>>) semaphore(%arg12 : memref<!tpu.dma_semaphore, #tpu.memory_space<semaphore_mem>>)
    %dma_start3A_7 = arith.constant 400 : i32
    %dma_start3A_8 = tpu.memref_slice %arg6[%dma_start3A_7] : memref<12800xi32, #tpu.memory_space<vmem>> -> memref<400xi32, #tpu.memory_space<vmem>>
    %dma_start3A_9 = arith.constant 0 : i32
    %dma_start3A_10 = arith.constant 0 : i32
    %dma_start3A_11 = tpu.memref_slice %arg2[%dma_start3A_9, %dma_start3A_10] : memref<2048x64xf32, #tpu.memory_space<hbm>> -> memref<2048x64xf32, #tpu.memory_space<hbm>>
    tpu.enqueue_indirect_dma source(%dma_start3A_11 : memref<2048x64xf32, #tpu.memory_space<hbm>>) target(%arg8 : memref<400x64xf32, #tpu.memory_space<vmem>>) offsets(%dma_start3A_8 : memref<400xi32, #tpu.memory_space<vmem>>) semaphore(%arg13 : memref<!tpu.dma_semaphore, #tpu.memory_space<semaphore_mem>>)
    %scan3A = arith.constant 0 : i32
    %scan3A_12 = arith.constant 16 : i32
    %scan3A_13 = arith.addi %scan3A, %scan3A_12 : i32
    %scan3A_14 = arith.constant 1 : i32
    scf.for %scan3A_27 = %scan3A to %scan3A_13 step %scan3A_14  : i32 {
      %mul3A_28 = arith.constant 1 : i32
      %mul3A_29 = arith.muli %scan3A_27, %mul3A_28 : i32
      %add3A_30 = arith.constant 0 : i32
      %add3A_31 = arith.addi %add3A_30, %mul3A_29 : i32
      %mul3A_32 = arith.constant 2 : i32
      %mul3A_33 = arith.muli %add3A_31, %mul3A_32 : i32
      %add3A_34 = arith.constant 0 : i32
      %add3A_35 = arith.addi %mul3A_33, %add3A_34 : i32
      %mul3A_36 = arith.constant 400 : i32
      %mul3A_37 = arith.muli %add3A_35, %mul3A_36 : i32
      %dma_wait3A_38 = tpu.memref_slice %arg6[%mul3A_37] : memref<12800xi32, #tpu.memory_space<vmem>> -> memref<400xi32, #tpu.memory_space<vmem>>
      %dma_wait3A_39 = arith.constant 0 : i32
      %dma_wait3A_40 = arith.constant 0 : i32
      %dma_wait3A_41 = tpu.memref_slice %arg2[%dma_wait3A_39, %dma_wait3A_40] : memref<2048x64xf32, #tpu.memory_space<hbm>> -> memref<2048x64xf32, #tpu.memory_space<hbm>>
      tpu.wait_indirect_dma semaphore(%arg12 : memref<!tpu.dma_semaphore, #tpu.memory_space<semaphore_mem>>) src(%dma_wait3A_41 : memref<2048x64xf32, #tpu.memory_space<hbm>>) dst(%arg7 : memref<400x64xf32, #tpu.memory_space<vmem>>)
      %ge3A = arith.constant 2 : i32
      %ge3A_42 = arith.cmpi sge, %add3A_35, %ge3A : i32
      %convert_element_type3A = arith.extui %ge3A_42 : i1 to i32
      %cond3A = arith.constant 0 : i32
      %cond3A_43 = arith.cmpi ne, %convert_element_type3A, %cond3A : i32
      scf.if %cond3A_43 {
        %sub3A = arith.constant 2 : i32
        %sub3A_106 = arith.subi %add3A_35, %sub3A : i32
        %mul3A_107 = arith.constant 400 : i32
        %mul3A_108 = arith.muli %sub3A_106, %mul3A_107 : i32
        %add3A_109 = arith.addi %mul3A_2, %mul3A_108 : i32
        %dma_wait3A_110 = arith.constant 0 : i32
        %dma_wait3A_111 = tpu.memref_slice %arg5[%add3A_109, %dma_wait3A_110] : memref<409600x64xf32, #tpu.memory_space<hbm>> -> memref<400x64xf32, #tpu.memory_space<hbm>>
        %dma_wait3A_112 = arith.constant 0 : i32
        %dma_wait3A_113 = tpu.memref_slice %arg5[%add3A_109, %dma_wait3A_112] : memref<409600x64xf32, #tpu.memory_space<hbm>> -> memref<400x64xf32, #tpu.memory_space<hbm>>
        tpu.wait_dma2 semaphore(%arg14 : memref<!tpu.dma_semaphore, #tpu.memory_space<semaphore_mem>>) src(%arg9 : memref<400x64xf32, #tpu.memory_space<vmem>>) dst(%dma_wait3A_113 : memref<400x64xf32, #tpu.memory_space<hbm>>)
      } else {
      }
      %scan3A_44 = arith.constant 0 : i32
      %scan3A_45 = arith.constant 200 : i32
      %scan3A_46 = arith.addi %scan3A_44, %scan3A_45 : i32
      %scan3A_47 = arith.constant 1 : i32
      scf.for %scan3A_106 = %scan3A_44 to %scan3A_46 step %scan3A_47  : i32 {
        %mul3A_107 = arith.constant 1 : i32
        %mul3A_108 = arith.muli %scan3A_106, %mul3A_107 : i32
        %add3A_109 = arith.constant 0 : i32
        %add3A_110 = arith.addi %add3A_109, %mul3A_108 : i32
        %add3A_111 = arith.constant 0 : i32
        %add3A_112 = arith.addi %add3A_111, %add3A_110 : i32
        %get3A = arith.index_cast %add3A_112 : i32 to index
        %get3A_113 = arith.constant 0 : index
        %get3A_114 = tpu.vector_load %arg7[%get3A, %get3A_113] {strides = array<i32>} : memref<400x64xf32, #tpu.memory_space<vmem>>, vector<16xf32>,
        %get3A_115 = arith.index_cast %add3A_110 : i32 to index
        %get3A_116 = arith.constant 0 : index
        %get3A_117 = tpu.vector_load %arg11[%get3A_115, %get3A_116] {strides = array<i32>} : memref<200x64xf32, #tpu.memory_space<vmem>>, vector<16xf32>,
        %add3A_118 = arith.addf %get3A_114, %get3A_117 : vector<16xf32>
        %add3A_119 = arith.constant 0 : i32
        %add3A_120 = arith.addi %add3A_119, %add3A_110 : i32
        %swap3A = arith.index_cast %add3A_120 : i32 to index
        %swap3A_121 = arith.constant 0 : index
        %swap3A_122 = tpu.vector_load %arg9[%swap3A, %swap3A_121] {strides = array<i32>} : memref<400x64xf32, #tpu.memory_space<vmem>>, vector<16xf32>,
        tpu.vector_store %arg9[%swap3A, %swap3A_121], %add3A_118 {strides = array<i32>} : memref<400x64xf32, #tpu.memory_space<vmem>>, vector<16xf32>,
        %add3A_123 = arith.constant 0 : i32
        %add3A_124 = arith.addi %add3A_123, %add3A_110 : i32
        %get3A_125 = arith.index_cast %add3A_124 : i32 to index
        %get3A_126 = arith.constant 16 : index
        %get3A_127 = tpu.vector_load %arg7[%get3A_125, %get3A_126] {strides = array<i32>} : memref<400x64xf32, #tpu.memory_space<vmem>>, vector<16xf32>,
        %get3A_128 = arith.index_cast %add3A_110 : i32 to index
        %get3A_129 = arith.constant 16 : index
        %get3A_130 = tpu.vector_load %arg11[%get3A_128, %get3A_129] {strides = array<i32>} : memref<200x64xf32, #tpu.memory_space<vmem>>, vector<16xf32>,
        %add3A_131 = arith.addf %get3A_127, %get3A_130 : vector<16xf32>
        %add3A_132 = arith.constant 0 : i32
        %add3A_133 = arith.addi %add3A_132, %add3A_110 : i32
        %swap3A_134 = arith.index_cast %add3A_133 : i32 to index
        %swap3A_135 = arith.constant 16 : index
        %swap3A_136 = tpu.vector_load %arg9[%swap3A_134, %swap3A_135] {strides = array<i32>} : memref<400x64xf32, #tpu.memory_space<vmem>>, vector<16xf32>,
        tpu.vector_store %arg9[%swap3A_134, %swap3A_135], %add3A_131 {strides = array<i32>} : memref<400x64xf32, #tpu.memory_space<vmem>>, vector<16xf32>,
        %add3A_137 = arith.constant 0 : i32
        %add3A_138 = arith.addi %add3A_137, %add3A_110 : i32
        %get3A_139 = arith.index_cast %add3A_138 : i32 to index
        %get3A_140 = arith.constant 32 : index
        %get3A_141 = tpu.vector_load %arg7[%get3A_139, %get3A_140] {strides = array<i32>} : memref<400x64xf32, #tpu.memory_space<vmem>>, vector<16xf32>,
        %get3A_142 = arith.index_cast %add3A_110 : i32 to index
        %get3A_143 = arith.constant 32 : index
        %get3A_144 = tpu.vector_load %arg11[%get3A_142, %get3A_143] {strides = array<i32>} : memref<200x64xf32, #tpu.memory_space<vmem>>, vector<16xf32>,
        %add3A_145 = arith.addf %get3A_141, %get3A_144 : vector<16xf32>
        %add3A_146 = arith.constant 0 : i32
        %add3A_147 = arith.addi %add3A_146, %add3A_110 : i32
        %swap3A_148 = arith.index_cast %add3A_147 : i32 to index
        %swap3A_149 = arith.constant 32 : index
        %swap3A_150 = tpu.vector_load %arg9[%swap3A_148, %swap3A_149] {strides = array<i32>} : memref<400x64xf32, #tpu.memory_space<vmem>>, vector<16xf32>,
        tpu.vector_store %arg9[%swap3A_148, %swap3A_149], %add3A_145 {strides = array<i32>} : memref<400x64xf32, #tpu.memory_space<vmem>>, vector<16xf32>,
        %add3A_151 = arith.constant 0 : i32
        %add3A_152 = arith.addi %add3A_151, %add3A_110 : i32
        %get3A_153 = arith.index_cast %add3A_152 : i32 to index
        %get3A_154 = arith.constant 48 : index
        %get3A_155 = tpu.vector_load %arg7[%get3A_153, %get3A_154] {strides = array<i32>} : memref<400x64xf32, #tpu.memory_space<vmem>>, vector<16xf32>,
        %get3A_156 = arith.index_cast %add3A_110 : i32 to index
        %get3A_157 = arith.constant 48 : index
        %get3A_158 = tpu.vector_load %arg11[%get3A_156, %get3A_157] {strides = array<i32>} : memref<200x64xf32, #tpu.memory_space<vmem>>, vector<16xf32>,
        %add3A_159 = arith.addf %get3A_155, %get3A_158 : vector<16xf32>
        %add3A_160 = arith.constant 0 : i32
        %add3A_161 = arith.addi %add3A_160, %add3A_110 : i32
        %swap3A_162 = arith.index_cast %add3A_161 : i32 to index
        %swap3A_163 = arith.constant 48 : index
        %swap3A_164 = tpu.vector_load %arg9[%swap3A_162, %swap3A_163] {strides = array<i32>} : memref<400x64xf32, #tpu.memory_space<vmem>>, vector<16xf32>,
        tpu.vector_store %arg9[%swap3A_162, %swap3A_163], %add3A_159 {strides = array<i32>} : memref<400x64xf32, #tpu.memory_space<vmem>>, vector<16xf32>,
      }
      %scan3A_48 = arith.constant 200 : i32
      %scan3A_49 = arith.constant 0 : i32
      %scan3A_50 = arith.constant 200 : i32
      %scan3A_51 = arith.addi %scan3A_49, %scan3A_50 : i32
      %scan3A_52 = arith.constant 1 : i32
      scf.for %scan3A_106 = %scan3A_49 to %scan3A_51 step %scan3A_52  : i32 {
        %mul3A_107 = arith.constant 1 : i32
        %mul3A_108 = arith.muli %scan3A_106, %mul3A_107 : i32
        %add3A_109 = arith.constant 0 : i32
        %add3A_110 = arith.addi %add3A_109, %mul3A_108 : i32
        %add3A_111 = arith.constant 200 : i32
        %add3A_112 = arith.addi %add3A_111, %add3A_110 : i32
        %get3A = arith.index_cast %add3A_112 : i32 to index
        %get3A_113 = arith.constant 0 : index
        %get3A_114 = tpu.vector_load %arg7[%get3A, %get3A_113] {strides = array<i32>} : memref<400x64xf32, #tpu.memory_space<vmem>>, vector<16xf32>,
        %get3A_115 = arith.index_cast %add3A_110 : i32 to index
        %get3A_116 = arith.constant 0 : index
        %get3A_117 = tpu.vector_load %arg11[%get3A_115, %get3A_116] {strides = array<i32>} : memref<200x64xf32, #tpu.memory_space<vmem>>, vector<16xf32>,
        %add3A_118 = arith.addf %get3A_114, %get3A_117 : vector<16xf32>
        %add3A_119 = arith.constant 200 : i32
        %add3A_120 = arith.addi %add3A_119, %add3A_110 : i32
        %swap3A = arith.index_cast %add3A_120 : i32 to index
        %swap3A_121 = arith.constant 0 : index
        %swap3A_122 = tpu.vector_load %arg9[%swap3A, %swap3A_121] {strides = array<i32>} : memref<400x64xf32, #tpu.memory_space<vmem>>, vector<16xf32>,
        tpu.vector_store %arg9[%swap3A, %swap3A_121], %add3A_118 {strides = array<i32>} : memref<400x64xf32, #tpu.memory_space<vmem>>, vector<16xf32>,
        %add3A_123 = arith.constant 200 : i32
        %add3A_124 = arith.addi %add3A_123, %add3A_110 : i32
        %get3A_125 = arith.index_cast %add3A_124 : i32 to index
        %get3A_126 = arith.constant 16 : index
        %get3A_127 = tpu.vector_load %arg7[%get3A_125, %get3A_126] {strides = array<i32>} : memref<400x64xf32, #tpu.memory_space<vmem>>, vector<16xf32>,
        %get3A_128 = arith.index_cast %add3A_110 : i32 to index
        %get3A_129 = arith.constant 16 : index
        %get3A_130 = tpu.vector_load %arg11[%get3A_128, %get3A_129] {strides = array<i32>} : memref<200x64xf32, #tpu.memory_space<vmem>>, vector<16xf32>,
        %add3A_131 = arith.addf %get3A_127, %get3A_130 : vector<16xf32>
        %add3A_132 = arith.constant 200 : i32
        %add3A_133 = arith.addi %add3A_132, %add3A_110 : i32
        %swap3A_134 = arith.index_cast %add3A_133 : i32 to index
        %swap3A_135 = arith.constant 16 : index
        %swap3A_136 = tpu.vector_load %arg9[%swap3A_134, %swap3A_135] {strides = array<i32>} : memref<400x64xf32, #tpu.memory_space<vmem>>, vector<16xf32>,
        tpu.vector_store %arg9[%swap3A_134, %swap3A_135], %add3A_131 {strides = array<i32>} : memref<400x64xf32, #tpu.memory_space<vmem>>, vector<16xf32>,
        %add3A_137 = arith.constant 200 : i32
        %add3A_138 = arith.addi %add3A_137, %add3A_110 : i32
        %get3A_139 = arith.index_cast %add3A_138 : i32 to index
        %get3A_140 = arith.constant 32 : index
        %get3A_141 = tpu.vector_load %arg7[%get3A_139, %get3A_140] {strides = array<i32>} : memref<400x64xf32, #tpu.memory_space<vmem>>, vector<16xf32>,
        %get3A_142 = arith.index_cast %add3A_110 : i32 to index
        %get3A_143 = arith.constant 32 : index
        %get3A_144 = tpu.vector_load %arg11[%get3A_142, %get3A_143] {strides = array<i32>} : memref<200x64xf32, #tpu.memory_space<vmem>>, vector<16xf32>,
        %add3A_145 = arith.addf %get3A_141, %get3A_144 : vector<16xf32>
        %add3A_146 = arith.constant 200 : i32
        %add3A_147 = arith.addi %add3A_146, %add3A_110 : i32
        %swap3A_148 = arith.index_cast %add3A_147 : i32 to index
        %swap3A_149 = arith.constant 32 : index
        %swap3A_150 = tpu.vector_load %arg9[%swap3A_148, %swap3A_149] {strides = array<i32>} : memref<400x64xf32, #tpu.memory_space<vmem>>, vector<16xf32>,
        tpu.vector_store %arg9[%swap3A_148, %swap3A_149], %add3A_145 {strides = array<i32>} : memref<400x64xf32, #tpu.memory_space<vmem>>, vector<16xf32>,
        %add3A_151 = arith.constant 200 : i32
        %add3A_152 = arith.addi %add3A_151, %add3A_110 : i32
        %get3A_153 = arith.index_cast %add3A_152 : i32 to index
        %get3A_154 = arith.constant 48 : index
        %get3A_155 = tpu.vector_load %arg7[%get3A_153, %get3A_154] {strides = array<i32>} : memref<400x64xf32, #tpu.memory_space<vmem>>, vector<16xf32>,
        %get3A_156 = arith.index_cast %add3A_110 : i32 to index
        %get3A_157 = arith.constant 48 : index
        %get3A_158 = tpu.vector_load %arg11[%get3A_156, %get3A_157] {strides = array<i32>} : memref<200x64xf32, #tpu.memory_space<vmem>>, vector<16xf32>,
        %add3A_159 = arith.addf %get3A_155, %get3A_158 : vector<16xf32>
        %add3A_160 = arith.constant 200 : i32
        %add3A_161 = arith.addi %add3A_160, %add3A_110 : i32
        %swap3A_162 = arith.index_cast %add3A_161 : i32 to index
        %swap3A_163 = arith.constant 48 : index
        %swap3A_164 = tpu.vector_load %arg9[%swap3A_162, %swap3A_163] {strides = array<i32>} : memref<400x64xf32, #tpu.memory_space<vmem>>, vector<16xf32>,
        tpu.vector_store %arg9[%swap3A_162, %swap3A_163], %add3A_159 {strides = array<i32>} : memref<400x64xf32, #tpu.memory_space<vmem>>, vector<16xf32>,
      }
      %scan3A_53 = arith.constant 200 : i32
      %mul3A_54 = arith.constant 400 : i32
      %mul3A_55 = arith.muli %add3A_35, %mul3A_54 : i32
      %add3A_56 = arith.addi %mul3A_2, %mul3A_55 : i32
      %dma_start3A_57 = arith.constant 0 : i32
      %dma_start3A_58 = tpu.memref_slice %arg5[%add3A_56, %dma_start3A_57] : memref<409600x64xf32, #tpu.memory_space<hbm>> -> memref<400x64xf32, #tpu.memory_space<hbm>>
      %dma_start3A_59 = arith.constant 0 : i32
      %dma_start3A_60 = tpu.memref_slice %arg5[%add3A_56, %dma_start3A_59] : memref<409600x64xf32, #tpu.memory_space<hbm>> -> memref<400x64xf32, #tpu.memory_space<hbm>>
      tpu.enqueue_dma source(%arg9 : memref<400x64xf32, #tpu.memory_space<vmem>>) target(%dma_start3A_60 : memref<400x64xf32, #tpu.memory_space<hbm>>) target_semaphore(%arg14 : memref<!tpu.dma_semaphore, #tpu.memory_space<semaphore_mem>>)
      %add3A_61 = arith.constant 2 : i32
      %add3A_62 = arith.addi %add3A_35, %add3A_61 : i32
      %lt3A = arith.constant 32 : i32
      %lt3A_63 = arith.cmpi slt, %add3A_62, %lt3A : i32
      %convert_element_type3A_64 = arith.extui %lt3A_63 : i1 to i32
      %cond3A_65 = arith.constant 0 : i32
      %cond3A_66 = arith.cmpi ne, %convert_element_type3A_64, %cond3A_65 : i32
      scf.if %cond3A_66 {
        %add3A_106 = arith.constant 2 : i32
        %add3A_107 = arith.addi %add3A_35, %add3A_106 : i32
        %mul3A_108 = arith.constant 400 : i32
        %mul3A_109 = arith.muli %add3A_107, %mul3A_108 : i32
        %dma_start3A_110 = tpu.memref_slice %arg6[%mul3A_109] : memref<12800xi32, #tpu.memory_space<vmem>> -> memref<400xi32, #tpu.memory_space<vmem>>
        %dma_start3A_111 = arith.constant 0 : i32
        %dma_start3A_112 = arith.constant 0 : i32
        %dma_start3A_113 = tpu.memref_slice %arg2[%dma_start3A_111, %dma_start3A_112] : memref<2048x64xf32, #tpu.memory_space<hbm>> -> memref<2048x64xf32, #tpu.memory_space<hbm>>
        tpu.enqueue_indirect_dma source(%dma_start3A_113 : memref<2048x64xf32, #tpu.memory_space<hbm>>) target(%arg7 : memref<400x64xf32, #tpu.memory_space<vmem>>) offsets(%dma_start3A_110 : memref<400xi32, #tpu.memory_space<vmem>>) semaphore(%arg12 : memref<!tpu.dma_semaphore, #tpu.memory_space<semaphore_mem>>)
      } else {
      }
      %mul3A_67 = arith.constant 2 : i32
      %mul3A_68 = arith.muli %add3A_31, %mul3A_67 : i32
      %add3A_69 = arith.constant 1 : i32
      %add3A_70 = arith.addi %mul3A_68, %add3A_69 : i32
      %mul3A_71 = arith.constant 400 : i32
      %mul3A_72 = arith.muli %add3A_70, %mul3A_71 : i32
      %dma_wait3A_73 = tpu.memref_slice %arg6[%mul3A_72] : memref<12800xi32, #tpu.memory_space<vmem>> -> memref<400xi32, #tpu.memory_space<vmem>>
      %dma_wait3A_74 = arith.constant 0 : i32
      %dma_wait3A_75 = arith.constant 0 : i32
      %dma_wait3A_76 = tpu.memref_slice %arg2[%dma_wait3A_74, %dma_wait3A_75] : memref<2048x64xf32, #tpu.memory_space<hbm>> -> memref<2048x64xf32, #tpu.memory_space<hbm>>
      tpu.wait_indirect_dma semaphore(%arg13 : memref<!tpu.dma_semaphore, #tpu.memory_space<semaphore_mem>>) src(%dma_wait3A_76 : memref<2048x64xf32, #tpu.memory_space<hbm>>) dst(%arg8 : memref<400x64xf32, #tpu.memory_space<vmem>>)
      %ge3A_77 = arith.constant 2 : i32
      %ge3A_78 = arith.cmpi sge, %add3A_70, %ge3A_77 : i32
      %convert_element_type3A_79 = arith.extui %ge3A_78 : i1 to i32
      %cond3A_80 = arith.constant 0 : i32
      %cond3A_81 = arith.cmpi ne, %convert_element_type3A_79, %cond3A_80 : i32
      scf.if %cond3A_81 {
        %sub3A = arith.constant 2 : i32
        %sub3A_106 = arith.subi %add3A_70, %sub3A : i32
        %mul3A_107 = arith.constant 400 : i32
        %mul3A_108 = arith.muli %sub3A_106, %mul3A_107 : i32
        %add3A_109 = arith.addi %mul3A_2, %mul3A_108 : i32
        %dma_wait3A_110 = arith.constant 0 : i32
        %dma_wait3A_111 = tpu.memref_slice %arg5[%add3A_109, %dma_wait3A_110] : memref<409600x64xf32, #tpu.memory_space<hbm>> -> memref<400x64xf32, #tpu.memory_space<hbm>>
        %dma_wait3A_112 = arith.constant 0 : i32
        %dma_wait3A_113 = tpu.memref_slice %arg5[%add3A_109, %dma_wait3A_112] : memref<409600x64xf32, #tpu.memory_space<hbm>> -> memref<400x64xf32, #tpu.memory_space<hbm>>
        tpu.wait_dma2 semaphore(%arg15 : memref<!tpu.dma_semaphore, #tpu.memory_space<semaphore_mem>>) src(%arg10 : memref<400x64xf32, #tpu.memory_space<vmem>>) dst(%dma_wait3A_113 : memref<400x64xf32, #tpu.memory_space<hbm>>)
      } else {
      }
      %scan3A_82 = arith.constant 0 : i32
      %scan3A_83 = arith.constant 200 : i32
      %scan3A_84 = arith.addi %scan3A_82, %scan3A_83 : i32
      %scan3A_85 = arith.constant 1 : i32
      scf.for %scan3A_106 = %scan3A_82 to %scan3A_84 step %scan3A_85  : i32 {
        %mul3A_107 = arith.constant 1 : i32
        %mul3A_108 = arith.muli %scan3A_106, %mul3A_107 : i32
        %add3A_109 = arith.constant 0 : i32
        %add3A_110 = arith.addi %add3A_109, %mul3A_108 : i32
        %add3A_111 = arith.constant 0 : i32
        %add3A_112 = arith.addi %add3A_111, %add3A_110 : i32
        %get3A = arith.index_cast %add3A_112 : i32 to index
        %get3A_113 = arith.constant 0 : index
        %get3A_114 = tpu.vector_load %arg8[%get3A, %get3A_113] {strides = array<i32>} : memref<400x64xf32, #tpu.memory_space<vmem>>, vector<16xf32>,
        %get3A_115 = arith.index_cast %add3A_110 : i32 to index
        %get3A_116 = arith.constant 0 : index
        %get3A_117 = tpu.vector_load %arg11[%get3A_115, %get3A_116] {strides = array<i32>} : memref<200x64xf32, #tpu.memory_space<vmem>>, vector<16xf32>,
        %add3A_118 = arith.addf %get3A_114, %get3A_117 : vector<16xf32>
        %add3A_119 = arith.constant 0 : i32
        %add3A_120 = arith.addi %add3A_119, %add3A_110 : i32
        %swap3A = arith.index_cast %add3A_120 : i32 to index
        %swap3A_121 = arith.constant 0 : index
        %swap3A_122 = tpu.vector_load %arg10[%swap3A, %swap3A_121] {strides = array<i32>} : memref<400x64xf32, #tpu.memory_space<vmem>>, vector<16xf32>,
        tpu.vector_store %arg10[%swap3A, %swap3A_121], %add3A_118 {strides = array<i32>} : memref<400x64xf32, #tpu.memory_space<vmem>>, vector<16xf32>,
        %add3A_123 = arith.constant 0 : i32
        %add3A_124 = arith.addi %add3A_123, %add3A_110 : i32
        %get3A_125 = arith.index_cast %add3A_124 : i32 to index
        %get3A_126 = arith.constant 16 : index
        %get3A_127 = tpu.vector_load %arg8[%get3A_125, %get3A_126] {strides = array<i32>} : memref<400x64xf32, #tpu.memory_space<vmem>>, vector<16xf32>,
        %get3A_128 = arith.index_cast %add3A_110 : i32 to index
        %get3A_129 = arith.constant 16 : index
        %get3A_130 = tpu.vector_load %arg11[%get3A_128, %get3A_129] {strides = array<i32>} : memref<200x64xf32, #tpu.memory_space<vmem>>, vector<16xf32>,
        %add3A_131 = arith.addf %get3A_127, %get3A_130 : vector<16xf32>
        %add3A_132 = arith.constant 0 : i32
        %add3A_133 = arith.addi %add3A_132, %add3A_110 : i32
        %swap3A_134 = arith.index_cast %add3A_133 : i32 to index
        %swap3A_135 = arith.constant 16 : index
        %swap3A_136 = tpu.vector_load %arg10[%swap3A_134, %swap3A_135] {strides = array<i32>} : memref<400x64xf32, #tpu.memory_space<vmem>>, vector<16xf32>,
        tpu.vector_store %arg10[%swap3A_134, %swap3A_135], %add3A_131 {strides = array<i32>} : memref<400x64xf32, #tpu.memory_space<vmem>>, vector<16xf32>,
        %add3A_137 = arith.constant 0 : i32
        %add3A_138 = arith.addi %add3A_137, %add3A_110 : i32
        %get3A_139 = arith.index_cast %add3A_138 : i32 to index
        %get3A_140 = arith.constant 32 : index
        %get3A_141 = tpu.vector_load %arg8[%get3A_139, %get3A_140] {strides = array<i32>} : memref<400x64xf32, #tpu.memory_space<vmem>>, vector<16xf32>,
        %get3A_142 = arith.index_cast %add3A_110 : i32 to index
        %get3A_143 = arith.constant 32 : index
        %get3A_144 = tpu.vector_load %arg11[%get3A_142, %get3A_143] {strides = array<i32>} : memref<200x64xf32, #tpu.memory_space<vmem>>, vector<16xf32>,
        %add3A_145 = arith.addf %get3A_141, %get3A_144 : vector<16xf32>
        %add3A_146 = arith.constant 0 : i32
        %add3A_147 = arith.addi %add3A_146, %add3A_110 : i32
        %swap3A_148 = arith.index_cast %add3A_147 : i32 to index
        %swap3A_149 = arith.constant 32 : index
        %swap3A_150 = tpu.vector_load %arg10[%swap3A_148, %swap3A_149] {strides = array<i32>} : memref<400x64xf32, #tpu.memory_space<vmem>>, vector<16xf32>,
        tpu.vector_store %arg10[%swap3A_148, %swap3A_149], %add3A_145 {strides = array<i32>} : memref<400x64xf32, #tpu.memory_space<vmem>>, vector<16xf32>,
        %add3A_151 = arith.constant 0 : i32
        %add3A_152 = arith.addi %add3A_151, %add3A_110 : i32
        %get3A_153 = arith.index_cast %add3A_152 : i32 to index
        %get3A_154 = arith.constant 48 : index
        %get3A_155 = tpu.vector_load %arg8[%get3A_153, %get3A_154] {strides = array<i32>} : memref<400x64xf32, #tpu.memory_space<vmem>>, vector<16xf32>,
        %get3A_156 = arith.index_cast %add3A_110 : i32 to index
        %get3A_157 = arith.constant 48 : index
        %get3A_158 = tpu.vector_load %arg11[%get3A_156, %get3A_157] {strides = array<i32>} : memref<200x64xf32, #tpu.memory_space<vmem>>, vector<16xf32>,
        %add3A_159 = arith.addf %get3A_155, %get3A_158 : vector<16xf32>
        %add3A_160 = arith.constant 0 : i32
        %add3A_161 = arith.addi %add3A_160, %add3A_110 : i32
        %swap3A_162 = arith.index_cast %add3A_161 : i32 to index
        %swap3A_163 = arith.constant 48 : index
        %swap3A_164 = tpu.vector_load %arg10[%swap3A_162, %swap3A_163] {strides = array<i32>} : memref<400x64xf32, #tpu.memory_space<vmem>>, vector<16xf32>,
        tpu.vector_store %arg10[%swap3A_162, %swap3A_163], %add3A_159 {strides = array<i32>} : memref<400x64xf32, #tpu.memory_space<vmem>>, vector<16xf32>,
      }
      %scan3A_86 = arith.constant 200 : i32
      %scan3A_87 = arith.constant 0 : i32
      %scan3A_88 = arith.constant 200 : i32
      %scan3A_89 = arith.addi %scan3A_87, %scan3A_88 : i32
      %scan3A_90 = arith.constant 1 : i32
      scf.for %scan3A_106 = %scan3A_87 to %scan3A_89 step %scan3A_90  : i32 {
        %mul3A_107 = arith.constant 1 : i32
        %mul3A_108 = arith.muli %scan3A_106, %mul3A_107 : i32
        %add3A_109 = arith.constant 0 : i32
        %add3A_110 = arith.addi %add3A_109, %mul3A_108 : i32
        %add3A_111 = arith.constant 200 : i32
        %add3A_112 = arith.addi %add3A_111, %add3A_110 : i32
        %get3A = arith.index_cast %add3A_112 : i32 to index
        %get3A_113 = arith.constant 0 : index
        %get3A_114 = tpu.vector_load %arg8[%get3A, %get3A_113] {strides = array<i32>} : memref<400x64xf32, #tpu.memory_space<vmem>>, vector<16xf32>,
        %get3A_115 = arith.index_cast %add3A_110 : i32 to index
        %get3A_116 = arith.constant 0 : index
        %get3A_117 = tpu.vector_load %arg11[%get3A_115, %get3A_116] {strides = array<i32>} : memref<200x64xf32, #tpu.memory_space<vmem>>, vector<16xf32>,
        %add3A_118 = arith.addf %get3A_114, %get3A_117 : vector<16xf32>
        %add3A_119 = arith.constant 200 : i32
        %add3A_120 = arith.addi %add3A_119, %add3A_110 : i32
        %swap3A = arith.index_cast %add3A_120 : i32 to index
        %swap3A_121 = arith.constant 0 : index
        %swap3A_122 = tpu.vector_load %arg10[%swap3A, %swap3A_121] {strides = array<i32>} : memref<400x64xf32, #tpu.memory_space<vmem>>, vector<16xf32>,
        tpu.vector_store %arg10[%swap3A, %swap3A_121], %add3A_118 {strides = array<i32>} : memref<400x64xf32, #tpu.memory_space<vmem>>, vector<16xf32>,
        %add3A_123 = arith.constant 200 : i32
        %add3A_124 = arith.addi %add3A_123, %add3A_110 : i32
        %get3A_125 = arith.index_cast %add3A_124 : i32 to index
        %get3A_126 = arith.constant 16 : index
        %get3A_127 = tpu.vector_load %arg8[%get3A_125, %get3A_126] {strides = array<i32>} : memref<400x64xf32, #tpu.memory_space<vmem>>, vector<16xf32>,
        %get3A_128 = arith.index_cast %add3A_110 : i32 to index
        %get3A_129 = arith.constant 16 : index
        %get3A_130 = tpu.vector_load %arg11[%get3A_128, %get3A_129] {strides = array<i32>} : memref<200x64xf32, #tpu.memory_space<vmem>>, vector<16xf32>,
        %add3A_131 = arith.addf %get3A_127, %get3A_130 : vector<16xf32>
        %add3A_132 = arith.constant 200 : i32
        %add3A_133 = arith.addi %add3A_132, %add3A_110 : i32
        %swap3A_134 = arith.index_cast %add3A_133 : i32 to index
        %swap3A_135 = arith.constant 16 : index
        %swap3A_136 = tpu.vector_load %arg10[%swap3A_134, %swap3A_135] {strides = array<i32>} : memref<400x64xf32, #tpu.memory_space<vmem>>, vector<16xf32>,
        tpu.vector_store %arg10[%swap3A_134, %swap3A_135], %add3A_131 {strides = array<i32>} : memref<400x64xf32, #tpu.memory_space<vmem>>, vector<16xf32>,
        %add3A_137 = arith.constant 200 : i32
        %add3A_138 = arith.addi %add3A_137, %add3A_110 : i32
        %get3A_139 = arith.index_cast %add3A_138 : i32 to index
        %get3A_140 = arith.constant 32 : index
        %get3A_141 = tpu.vector_load %arg8[%get3A_139, %get3A_140] {strides = array<i32>} : memref<400x64xf32, #tpu.memory_space<vmem>>, vector<16xf32>,
        %get3A_142 = arith.index_cast %add3A_110 : i32 to index
        %get3A_143 = arith.constant 32 : index
        %get3A_144 = tpu.vector_load %arg11[%get3A_142, %get3A_143] {strides = array<i32>} : memref<200x64xf32, #tpu.memory_space<vmem>>, vector<16xf32>,
        %add3A_145 = arith.addf %get3A_141, %get3A_144 : vector<16xf32>
        %add3A_146 = arith.constant 200 : i32
        %add3A_147 = arith.addi %add3A_146, %add3A_110 : i32
        %swap3A_148 = arith.index_cast %add3A_147 : i32 to index
        %swap3A_149 = arith.constant 32 : index
        %swap3A_150 = tpu.vector_load %arg10[%swap3A_148, %swap3A_149] {strides = array<i32>} : memref<400x64xf32, #tpu.memory_space<vmem>>, vector<16xf32>,
        tpu.vector_store %arg10[%swap3A_148, %swap3A_149], %add3A_145 {strides = array<i32>} : memref<400x64xf32, #tpu.memory_space<vmem>>, vector<16xf32>,
        %add3A_151 = arith.constant 200 : i32
        %add3A_152 = arith.addi %add3A_151, %add3A_110 : i32
        %get3A_153 = arith.index_cast %add3A_152 : i32 to index
        %get3A_154 = arith.constant 48 : index
        %get3A_155 = tpu.vector_load %arg8[%get3A_153, %get3A_154] {strides = array<i32>} : memref<400x64xf32, #tpu.memory_space<vmem>>, vector<16xf32>,
        %get3A_156 = arith.index_cast %add3A_110 : i32 to index
        %get3A_157 = arith.constant 48 : index
        %get3A_158 = tpu.vector_load %arg11[%get3A_156, %get3A_157] {strides = array<i32>} : memref<200x64xf32, #tpu.memory_space<vmem>>, vector<16xf32>,
        %add3A_159 = arith.addf %get3A_155, %get3A_158 : vector<16xf32>
        %add3A_160 = arith.constant 200 : i32
        %add3A_161 = arith.addi %add3A_160, %add3A_110 : i32
        %swap3A_162 = arith.index_cast %add3A_161 : i32 to index
        %swap3A_163 = arith.constant 48 : index
        %swap3A_164 = tpu.vector_load %arg10[%swap3A_162, %swap3A_163] {strides = array<i32>} : memref<400x64xf32, #tpu.memory_space<vmem>>, vector<16xf32>,
        tpu.vector_store %arg10[%swap3A_162, %swap3A_163], %add3A_159 {strides = array<i32>} : memref<400x64xf32, #tpu.memory_space<vmem>>, vector<16xf32>,
      }
      %scan3A_91 = arith.constant 200 : i32
      %mul3A_92 = arith.constant 400 : i32
      %mul3A_93 = arith.muli %add3A_70, %mul3A_92 : i32
      %add3A_94 = arith.addi %mul3A_2, %mul3A_93 : i32
      %dma_start3A_95 = arith.constant 0 : i32
      %dma_start3A_96 = tpu.memref_slice %arg5[%add3A_94, %dma_start3A_95] : memref<409600x64xf32, #tpu.memory_space<hbm>> -> memref<400x64xf32, #tpu.memory_space<hbm>>
      %dma_start3A_97 = arith.constant 0 : i32
      %dma_start3A_98 = tpu.memref_slice %arg5[%add3A_94, %dma_start3A_97] : memref<409600x64xf32, #tpu.memory_space<hbm>> -> memref<400x64xf32, #tpu.memory_space<hbm>>
      tpu.enqueue_dma source(%arg10 : memref<400x64xf32, #tpu.memory_space<vmem>>) target(%dma_start3A_98 : memref<400x64xf32, #tpu.memory_space<hbm>>) target_semaphore(%arg15 : memref<!tpu.dma_semaphore, #tpu.memory_space<semaphore_mem>>)
      %add3A_99 = arith.constant 2 : i32
      %add3A_100 = arith.addi %add3A_70, %add3A_99 : i32
      %lt3A_101 = arith.constant 32 : i32
      %lt3A_102 = arith.cmpi slt, %add3A_100, %lt3A_101 : i32
      %convert_element_type3A_103 = arith.extui %lt3A_102 : i1 to i32
      %cond3A_104 = arith.constant 0 : i32
      %cond3A_105 = arith.cmpi ne, %convert_element_type3A_103, %cond3A_104 : i32
      scf.if %cond3A_105 {
        %add3A_106 = arith.constant 2 : i32
        %add3A_107 = arith.addi %add3A_70, %add3A_106 : i32
        %mul3A_108 = arith.constant 400 : i32
        %mul3A_109 = arith.muli %add3A_107, %mul3A_108 : i32
        %dma_start3A_110 = tpu.memref_slice %arg6[%mul3A_109] : memref<12800xi32, #tpu.memory_space<vmem>> -> memref<400xi32, #tpu.memory_space<vmem>>
        %dma_start3A_111 = arith.constant 0 : i32
        %dma_start3A_112 = arith.constant 0 : i32
        %dma_start3A_113 = tpu.memref_slice %arg2[%dma_start3A_111, %dma_start3A_112] : memref<2048x64xf32, #tpu.memory_space<hbm>> -> memref<2048x64xf32, #tpu.memory_space<hbm>>
        tpu.enqueue_indirect_dma source(%dma_start3A_113 : memref<2048x64xf32, #tpu.memory_space<hbm>>) target(%arg8 : memref<400x64xf32, #tpu.memory_space<vmem>>) offsets(%dma_start3A_110 : memref<400xi32, #tpu.memory_space<vmem>>) semaphore(%arg13 : memref<!tpu.dma_semaphore, #tpu.memory_space<semaphore_mem>>)
      } else {
      }
    }
    %scan3A_15 = arith.constant 16 : i32
    %add3A_16 = arith.constant 12000 : i32
    %add3A_17 = arith.addi %mul3A_2, %add3A_16 : i32
    %dma_wait3A = arith.constant 0 : i32
    %dma_wait3A_18 = tpu.memref_slice %arg5[%add3A_17, %dma_wait3A] : memref<409600x64xf32, #tpu.memory_space<hbm>> -> memref<400x64xf32, #tpu.memory_space<hbm>>
    %dma_wait3A_19 = arith.constant 0 : i32
    %dma_wait3A_20 = tpu.memref_slice %arg5[%add3A_17, %dma_wait3A_19] : memref<409600x64xf32, #tpu.memory_space<hbm>> -> memref<400x64xf32, #tpu.memory_space<hbm>>
    tpu.wait_dma2 semaphore(%arg14 : memref<!tpu.dma_semaphore, #tpu.memory_space<semaphore_mem>>) src(%arg9 : memref<400x64xf32, #tpu.memory_space<vmem>>) dst(%dma_wait3A_20 : memref<400x64xf32, #tpu.memory_space<hbm>>)
    %add3A_21 = arith.constant 12400 : i32
    %add3A_22 = arith.addi %mul3A_2, %add3A_21 : i32
    %dma_wait3A_23 = arith.constant 0 : i32
    %dma_wait3A_24 = tpu.memref_slice %arg5[%add3A_22, %dma_wait3A_23] : memref<409600x64xf32, #tpu.memory_space<hbm>> -> memref<400x64xf32, #tpu.memory_space<hbm>>
    %dma_wait3A_25 = arith.constant 0 : i32
    %dma_wait3A_26 = tpu.memref_slice %arg5[%add3A_22, %dma_wait3A_25] : memref<409600x64xf32, #tpu.memory_space<hbm>> -> memref<400x64xf32, #tpu.memory_space<hbm>>
    tpu.wait_dma2 semaphore(%arg15 : memref<!tpu.dma_semaphore, #tpu.memory_space<semaphore_mem>>) src(%arg10 : memref<400x64xf32, #tpu.memory_space<vmem>>) dst(%dma_wait3A_26 : memref<400x64xf32, #tpu.memory_space<hbm>>)
    return
  }
}

</mosaic_0001>

<sc_bundles>
// kernel: kernel.3.cloned.1.call-start
scs
__scs_entry_jumppad:
0x0: {  	(pc) =	sbr.rel $0x88, $3  }
0x1: {  	(tag) =	ssettag $0x0;
	lr =	simm.s32 $0x1  }
0x2: {  	[smem:$0x3F9E] =	sst lr;
	_ =	strace $0xD0000000  }
0x3: {  	_ = 	snop  }
0x4: {  	_ = 	snop  }
0x5: {  	_ = 	snop  }
0x6: {  	_ = 	snop  }
0x7: {  	_ = 	snop  }
__scs_overlays_trampoline_lowered:
0x8: {  	[smem:$0x3FAD] =	sst s0  }
0x9: {  	[smem:$0x3FAE] =	sst s1  }
0xa: {  	[smem:$0x3FAF] =	sst s2  }
0xb: {  	[smem:$0x3FB0] =	sst s3  }
0xc: {  	[smem:$0x3FB1] =	sst s4  }
0xd: {  	[smem:$0x3FB2] =	sst s5  }
0xe: {  	[smem:$0x3FB3] =	sst s6  }
0xf: {  	[smem:$0x3FB4] =	sst s7  }
0x10: {  	[smem:$0x3FB5] =	sst s8  }
0x11: {  	[smem:$0x3FB6] =	sst s9;
	s0 =	simm.s32 @!p0 $0x0  }
0x12: {  	s1 =	sld [smem:$0x3F9C];
	s0 =	simm.s32 @p0 $0x1  }
0x13: {  	[smem:$0x3FB7] =	sst s0;
	s0 =	simm.s32 @!p1 $0x0  }
0x14: {  	s2 =	sld [smem:$0x3F9B];
	s0 =	simm.s32 @p1 $0x1  }
0x15: {  	[smem:$0x3FB8] =	sst s0;
	s0 =	simm.s32 @!p2 $0x0  }
0x16: {  	s3 =	sld [smem:$0x3FDB];
	s0 =	simm.s32 @p2 $0x1  }
0x17: {  	s4 =	simm.s32 $0x1BF5;
	[smem:$0x3FBA] =	sst s0  }
0x18: {  	s0 =	sld [smem:$0x3F9D];
	_ =	swait.ge [sflag:s4], $0x0  }
0x19: {  	s7 =	sld [smem:$0x3F9E]  }
0x1a: {  	s8 =	sadd.s32 $0xFFFFE003, lr  }
0x1b: {  	s9 =	sadd.s32 $0xFFFFFEF7, lr;
	s5 =	simm.s32 $0xFFFFFFFF;
	p2 =	slt.u32 s8, $0xFFFFF086  }
0x1c: {  	p1 =	slt.u32 s9, $0xF7A;
	s5 =	simm.s32 @!p2 $0x0  }
0x1d: {  	s5 =	simm.s32 @p1 $0x1;
	p0 =	seq.s32 s7, s2  }
0x1e: {  	s7 =	smul.u32 @!p0 $0xF7A, s2;
	p2 =	seq.s32 @!p0 s5, $0x0  }
0x1f: {  	s9 =	smul.u32 $0xF7A, s1;
	s8 =	simm.s32 @!p0 $0x1BF5;
	p2 =	por !p2, p0  }
0x20: {  	[sflag:s8] =	ssyncset.s32 @!p0 $0xFFFFF086;
	s6 =	sadd.s32 @!p0 s3, s7;
	s7 =	simm.s32 @!p0 $0x108  }
0x21: {  	s3 =	sadd.s32 s3, s9;
	s6 =	sadd.s32 @!p0 $0x88, s6;
	s7 =	simm.s32 @p2 $0x1082  }
0x22: {  	[simem:s7], [sflag:s8] =	dma.local @!p0 [hbm:s6], $0xF7A  }
0x23: {  	s9 =	sor.u32 $0xD0000000, s2;
	s6 =	simm.s32 $0x108;
	_ =	swait.ge @!p0 [sflag:s8], $0x0  }
0x24: {  	s3 =	sadd.s32 $0x88, s3;
	s6 =	simm.s32 @!p1 $0x1082;
	[sflag:s4] =	ssyncset.s32 $0xFFFFF086  }
0x25: {  	[simem:s6], [sflag:s4] =	dma.local [hbm:s3], $0xF7A  }
0x26: {  	[smem:$0x3F9E] =	sst s1;
	(tag) =	ssettag s2;
	_ =	strace s9  }
0x27: {  	s1 =	sld [smem:$0x3FAE]  }
0x28: {  	s2 =	sld [smem:$0x3FAF]  }
0x29: {  	s4 =	sld [smem:$0x3FB1]  }
0x2a: {  	p0 =	seq.s32 s5, $0x0;
	s5 =	sld [smem:$0x3FB2]  }
0x2b: {  	s6 =	sld [smem:$0x3FB3]  }
0x2c: {  	s7 =	sld [smem:$0x3FB4]  }
0x2d: {  	s3 =	simm.s32 $0x108;
	s8 =	sld [smem:$0x3FB5]  }
0x2e: {  	s3 =	simm.s32 @!p0 $0x1082;
	s9 =	sld [smem:$0x3FB6]  }
0x2f: {  	lr =	sadd.s32 s0, s3;
	s0 =	sld [smem:$0x3FAD]  }
0x30: {  	s3 =	sld [smem:$0x3FB0]  }
0x31: {  	[smem:$0x3FB9] =	sst s10  }
0x32: {  	s10 =	sld [smem:$0x3FB7];
	_ =	sdelay $0x3  }
0x33: {  	p0 =	seq.s32 s10, $0x1;
	s10 =	sld [smem:$0x3FB9];
	_ =	sdelay $0x3  }
0x34: {  	[smem:$0x3FB9] =	sst s10  }
0x35: {  	s10 =	sld [smem:$0x3FB8];
	_ =	sdelay $0x3  }
0x36: {  	p1 =	seq.s32 s10, $0x1;
	s10 =	sld [smem:$0x3FB9];
	_ =	sdelay $0x3  }
0x37: {  	[smem:$0x3FB9] =	sst s10  }
0x38: {  	s10 =	sld [smem:$0x3FBA]  }
0x39: {  	_ = 	snop;
	(pc) =	sbr.ind lr, $3  }
0x3a: {  	_ = 	snop  }
0x3b: {  	_ = 	snop  }
0x3c: {  	p2 =	seq.s32 s10, $0x1;
	s10 =	sld [smem:$0x3FB9]  }
0x3d: {  	_ =	shalt  }
0x3e: {  	_ =	shalt  }
0x3f: {  	_ =	shalt  }
0x40: {  	_ =	shalt  }
0x41: {  	_ =	shalt  }
0x42: {  	_ =	shalt  }
0x43: {  	_ =	shalt  }
0x44: {  	_ =	shalt  }
0x45: {  	_ =	shalt  }
0x46: {  	_ =	shalt  }
0x47: {  	_ =	shalt  }
0x48: {  	_ =	shalt  }
0x49: {  	_ =	shalt  }
0x4a: {  	_ =	shalt  }
0x4b: {  	_ =	shalt  }
0x4c: {  	_ =	shalt  }
0x4d: {  	_ =	shalt  }
0x4e: {  	_ =	shalt  }
0x4f: {  	_ =	shalt  }
0x50: {  	_ =	shalt  }
0x51: {  	_ =	shalt  }
0x52: {  	_ =	shalt  }
0x53: {  	_ =	shalt  }
0x54: {  	_ =	shalt  }
0x55: {  	_ =	shalt  }
0x56: {  	_ =	shalt  }
0x57: {  	_ =	shalt  }
0x58: {  	_ =	shalt  }
0x59: {  	_ =	shalt  }
0x5a: {  	_ =	shalt  }
0x5b: {  	_ =	shalt  }
0x5c: {  	_ =	shalt  }
0x5d: {  	_ =	shalt  }
0x5e: {  	_ =	shalt  }
0x5f: {  	_ =	shalt  }
0x60: {  	_ =	shalt  }
0x61: {  	_ =	shalt  }
0x62: {  	_ =	shalt  }
0x63: {  	_ =	shalt  }
0x64: {  	_ =	shalt  }
0x65: {  	_ =	shalt  }
0x66: {  	_ =	shalt  }
0x67: {  	_ =	shalt  }
0x68: {  	_ =	shalt  }
0x69: {  	_ =	shalt  }
0x6a: {  	_ =	shalt  }
0x6b: {  	_ =	shalt  }
0x6c: {  	_ =	shalt  }
0x6d: {  	_ =	shalt  }
0x6e: {  	_ =	shalt  }
0x6f: {  	_ =	shalt  }
0x70: {  	_ =	shalt  }
0x71: {  	_ =	shalt  }
0x72: {  	_ =	shalt  }
0x73: {  	_ =	shalt  }
0x74: {  	_ =	shalt  }
0x75: {  	_ =	shalt  }
0x76: {  	_ =	shalt  }
0x77: {  	_ =	shalt  }
0x78: {  	_ =	shalt  }
0x79: {  	_ =	shalt  }
0x7a: {  	_ =	shalt  }
0x7b: {  	_ =	shalt  }
0x7c: {  	_ =	shalt  }
0x7d: {  	_ =	shalt  }
0x7e: {  	_ =	shalt  }
0x7f: {  	_ =	shalt  }
0x80: {  	_ =	shalt  }
0x81: {  	_ =	shalt  }
0x82: {  	_ =	shalt  }
0x83: {  	_ =	shalt  }
0x84: {  	_ =	shalt  }
0x85: {  	_ =	shalt  }
0x86: {  	_ =	shalt  }
0x87: {  	_ =	shalt  }
.Lfunc_end0:
.L_simem_size_0:
called_computation.1_lowered:
.L_overlay_start_0:
0x88: {  	s2 =	sld [smem:$0x3FD9]  }
0x89: {  	s3 =	sld [smem:$0x3FFE];
	_ =	sdelay $0x1  }
0x8a: {  	s1 =	srdreg.scid  }
0x8b: {  	s0 =	sand.u32 $0x1, s1  }
0x8c: {  	s17 =	sshll.u32 s0, $0xA;
	s2 =	sadd.s32 s3, s2  }
0x8d: {  	s2 =	sadd.s32 s2, s17  }
0x8e: {  	[smem:$0x3FC5] =	sst s2  }
0x8f: {  	_ = 	snop  }
0x90: {  	s2 =	sld [smem:$0x3FD0];
	(tm) =	ssettm $0x1  }
0x91: {  	s18 =	sld [smem:$0x3FFB];
	_ =	sdelay $0x3  }
0x92: {  	_ =	strace s18  }
0x93: {  	s3 =	sld [smem:$0x3FFC];
	_ =	sdelay $0x3  }
0x94: {  	_ =	strace s3  }
0x95: {  	s3 =	sld [smem:$0x3FFD];
	_ =	sdelay $0x3  }
0x96: {  	_ =	strace s3  }
0x97: {  	_ =	strace $0x8FFFFFFF  }
0x98: {  	s19 =	sld [smem:$0x3FDB];
	_ =	sdelay $0x1  }
0x99: {  	s4 =	simm.s32 $_scs_section_size  }
0x9a: {  	s5 =	simm.s32 $_size__tile_overlayer_lowered;
	s6 =	simm.s32 $_tile_overlayer_lowered  }
0x9b: {  	s22 =	simm.s32 $0x1BFF;
	s21 =	sshll.u32 s6, $0x1;
	s3 =	sadd.s32 s4, s19  }
0x9c: {  	s7 =	simm.s32 $0x0;
	s20 =	sshll.u32 s5, $0x1;
	s5 =	sadd.s32 s21, s3  }
0x9d: {  	[timem:s7], [sflag:s22] =	dma.local [hbm:s5], s20  }
0x9e: {  	_ =	swait.ge [sflag:s22], s20  }
0x9f: {  	s4 =	ssub.s32 $0x0, s20;
	[sflag:s22] =	ssyncset.done $0x0  }
0xa0: {  	[sflag:s22] =	ssyncadd.s32 s4;
	_ =	sdelay $0x1  }
0xa1: {  	s23 =	simm.s32 $0x1B8B  }
0xa2: {  	_ =	swait.ge [sflag:s23], $0x1  }
0xa3: {  	[sflag:s23] =	ssyncset.done $0x0  }
0xa4: {  	s25 =	simm.s32 $0x1B8E;
	s24 =	sld [smem:$0x3FFE];
	[sflag:s23] =	ssyncadd.s32 $0xFFFFFFFF  }
0xa5: {  	s26 =	simm.s32 $execute0_lowered;
	[smem:$0x3FD2] =	sst s25  }
0xa6: {  	s5 =	sshll.u32 s26, $0x1;
	_ =	strace $0x80000046;
	[dreg:$0x1] =	wrdreg $0xFFFFFFFF  }
0xa7: {  	s28 =	simm.s32 $_size_execute0_lowered;
	s3 =	sadd.s32 s3, s5;
	[dreg:$0x0] =	wrdreg $0x0  }
0xa8: {  	s5 =	sshll.u32 s28, $0x1;
	[dreg:$0x2] =	wrdreg s3  }
0xa9: {  	[dreg:$0x3] =	wrdreg s5  }
0xaa: {  	[dreg:$0x4] =	wrdreg $0xC0  }
0xab: {  	_ =	task [dreg:s7], $0x5FFFF  }
0xac: {  	[dreg:$0x1] =	wrdreg $0xFFFFFFFF  }
0xad: {  	[dreg:$0x0] =	wrdreg $0x60  }
0xae: {  	[dreg:$0x2] =	wrdreg s24  }
0xaf: {  	[dreg:$0x3] =	wrdreg s2  }
0xb0: {  	[dreg:$0x4] =	wrdreg $0x9  }
0xb1: {  	_ =	task.clear_ibuf [dreg:s7], $0x5FFFF;
	_ =	strace $0x90000046  }
0xb2: {  	s29 =	simm.s32 $0x9;
	_ =	strace $0x80000048  }
0xb3: {  	_ =	swait.ge [sflag:s29], $0x1  }
0xb4: {  	[sflag:s29] =	ssyncadd.s32 $0xFFFFFFFF  }
0xb5: {  	_ =	strace $0x90000048  }
0xb6: {  	_ =	sfence  }
0xb7: {  	s30 =	sld [smem:$0x0];
	_ =	sdelay $0x2  }
0xb8: {  	s31 =	sshll.u32 s1, $0xD;
	s1 =	sshrl.u32 s1, $0x2  }
0xb9: {  	s3 =	sand.u32 $0x4000, s31;
	s1 =	sadd.s32 s1, s30  }
0xba: {  	s0 =	sor.u32 s3, s0;
	s1 =	sshll.u32 s1, $0x11  }
0xbb: {  	s0 =	sor.u32 s1, s0  }
0xbc: {  	s0 =	sadd.s32 $0x8F2B, s0  }
0xbd: {  	[sflag:s0] =	ssyncadd.remote.s32 $0x1  }
0xbe: {  	_ =	sfence.sel $0xFFFF  }
0xbf: {  	[dreg:$0x0] =	wrdreg $0xFFFFFFFF;
	(pc) =	sbr.abs _section_cstart, $3  }
0xc0: {  	[dreg:$0x1] =	wrdreg $0xFFFFFFFF  }
0xc1: {  	_ =	task.clear_ibuf [dreg:s7], $0x2FFFF;
	_ =	strace $0x9FFFFFFF  }
0xc2: {  	(tm) =	ssettm $0x7FFFFFFF  }
0xc3: {  	_ =	shalt  }
tec
execute0_lowered:
.L_overlay_start_1:
0x0: {  	(tag) =	ssettag $0x1  }
0x1: {  	s6 =	rddreg [dreg:$0x0];
	s1 =	srdreg.scid  }
0x2: {  	s0 =	stileid.u32;
	s2 =	rddreg [dreg:$0x1];
	s3 =	simm.s32 $0x0  }
0x3: {  	s10 =	simm.s32 $0x5;
	s11 =	simm.s32 $0x1C200;
	s12 =	simm.s32 $0x190  }
0x4: {  	s13 =	simm.s32 $0x3200;
	s14 =	simm.s32 $0x9600;
	s15 =	simm.s32 $0x1  }
0x5: {  	s16 =	simm.s32 $0xFA00;
	s5 =	sand.u32 $0x1, s1;
	s4 =	sshll.u32 s0, $0x1  }
0x6: {  	s17 =	simm.s32 $0x2;
	s18 =	simm.s32 $0x4;
	s4 =	sor.u32 s5, s4  }
0x7: {  	s19 =	simm.s32 $0x15E00;
	s20 =	simm.s32 $0x3;
	s4 =	smul.u32 $0x3200, s4  }
.Ltmp0:
0x8: {  	s1 =	rddreg [dreg:$0x2];
	s7 =	ssub.s32 $0x2, s5;
	(pc) =	sbr.rel .LBB2_1-.Ltmp0, $4  }
0x9: {  	s21 =	simm.s32 $0x0;
	[smem:$0x7FF] =	sst s3;
	s9 =	sshrl.u32 s7, $0x1  }
0xa: {  	_ =	strace $0x80000047;
	s9 =	ssub.s32 s7, s9;
	s8 =	sshrl.u32 s4, $0x3  }
0xb: {  	s5 =	sadd.s32 $0xC00, s6;
	s9 =	smax.u32 s9, $0x1;
	s8 =	sadd.s32 s8, s6  }
0xc: {  	s6 =	sadd.s32 $0x400, s6;
	s7 =	sadd.s32 $0x344C00, s8;
	s8 =	sor.u32 $0x190, s4  }
.LBB2_16:
0xd: {  	s21 =	sadd.s32 $0x1, s21  }
0xe: {  	_ =	swait.ge [sflag:s20], $0x6400;
	p0 =	sne.s32 s21, s9  }
.Ltmp1:
0xf: {  	[sflag:s20] =	ssyncset.done $0x0;
	(pc) =	sbr.rel @!p0 .LBB2_17-.Ltmp1, $4  }
0x10: {  	[sflag:s20] =	ssyncadd.s32 $0xFFFF9C00  }
0x11: {  	_ =	swait.ge [sflag:s18], $0x6400  }
0x12: {  	[sflag:s18] =	ssyncset.done $0x0  }
0x13: {  	[sflag:s18] =	ssyncadd.s32 $0xFFFF9C00  }
.LBB2_1:
0x14: {  	[tilespmem:s3], [sflag:$0x5] =	stream.linear.gather [hbm4b:s7+s3], $0x3200, $0x38;
	[tilespmem:$0x1F400] =	vst v63  }
0x15: {  	_ =	swait.ge [sflag:s10], $0x3200  }
0x16: {  	[sflag:s10] =	ssyncset.done $0x0  }
0x17: {  	[sflag:s10] =	ssyncadd.s32 $0xFFFFCE00  }
0x18: {  	[tilespmem:s11], [sflag:$0x5] =	stream.linear.gather [hbm4b:s6+s3], $0x3200, $0x38;
	[tilespmem:$0x1F400] =	vst v63  }
0x19: {  	_ =	swait.ge [sflag:s10], $0x3200  }
0x1a: {  	[sflag:s10] =	ssyncset.done $0x0  }
0x1b: {  	[sflag:s10] =	ssyncadd.s32 $0xFFFFCE00  }
0x1c: {  	[tilespmem:s13], [sflag:$0x1] =	stream.indirect.gather [hbm4b:s5+s12], $0x40, s3, s12, $0xb8;
	[tilespmem:$0x1F400] =	vst v63  }
0x1d: {  	s22 =	simm.s32 $0x0  }
0x1e: {  	[tilespmem:s14], [sflag:$0x2] =	stream.indirect.gather [hbm4b:s5+s12], $0x40, s12, s12, $0xb8;
	[tilespmem:$0x1F400] =	vst v63  }
.LBB2_2:
0x1f: {  	_ =	swait.ge [sflag:s15], $0x6400  }
0x20: {  	p0 =	seq.s32 s22, $0x0;
	[sflag:s15] =	ssyncset.done $0x0  }
0x21: {  	s23 =	simm.s32 @!p0 $0x3;
	[sflag:s15] =	ssyncadd.s32 $0xFFFF9C00  }
0x22: {  	_ =	swait.ge @!p0 [sflag:s23], $0x6400  }
0x23: {  	[sflag:s23] =	ssyncset.done @!p0 $0x0  }
0x24: {  	[sflag:s23] =	ssyncadd.s32 @!p0 $0xFFFF9C00;
	s23 =	simm.s32 $0x0  }
0x25: {  	v2 =	vld [tilespmem:s23+$0x3230]  }
0x26: {  	v4 =	vld [tilespmem:s23+$0x1C230]  }
0x27: {  	v5 =	vld [tilespmem:s23+$0x3200]  }
0x28: {  	v6 =	vld [tilespmem:s23+$0x1C200]  }
0x29: {  	v1 =	vld [tilespmem:s23+$0x3210]  }
0x2a: {  	v3 =	vld [tilespmem:s23+$0x1C210]  }
0x2b: {  	v0 =	vld [tilespmem:s23+$0x3220];
	v7 =	vadd.f32 v4, v2  }
0x2c: {  	s24 =	simm.s32 $0x40;
	v4 =	vld [tilespmem:s23+$0x1C220]  }
0x2d: {  	s26 =	simm.s32 $0x200;
	s25 =	simm.s32 $0x0;
	v2 =	vld [tilespmem:s24+$0x3230];
	v5 =	vadd.f32 v6, v5;
	[tilespmem:s23+$0xFA30] =	vst v7  }
.LBB2_3:
0x2e: {  	p1 =	sne.s32 s26, $0xC700;
	v6 =	vld [tilespmem:s24+$0x1C230]  }
0x2f: {  	v7 =	vld [tilespmem:s24+$0x3200];
	[tilespmem:s25+$0xFA00] =	vst v5;
	v3 =	vadd.f32 v3, v1  }
0x30: {  	v5 =	vld [tilespmem:s24+$0x1C200]  }
.Ltmp2:
0x31: {  	v1 =	vld [tilespmem:s24+$0x3210];
	[tilespmem:s25+$0xFA10] =	vst v3;
	v4 =	vadd.f32 v4, v0;
	(pc) =	sbr.rel @p1 .LBB2_3-.Ltmp2, $4  }
0x32: {  	v3 =	vld [tilespmem:s24+$0x1C210]  }
0x33: {  	v0 =	vld [tilespmem:s24+$0x3220];
	v6 =	vadd.f32 v6, v2;
	[tilespmem:s25+$0xFA20] =	vst v4;
	s25 =	smov.u32 s24  }
0x34: {  	s24 =	sshra.s32 s26, $0x2;
	v4 =	vld [tilespmem:s25+$0x1C220]  }
0x35: {  	s26 =	sadd.s32 $0x100, s26;
	v2 =	vld [tilespmem:s24+$0x3230];
	v5 =	vadd.f32 v5, v7;
	[tilespmem:s25+$0xFA30] =	vst v6  }
0x36: {  	v6 =	vld [tilespmem:s24+$0x1C230]  }
0x37: {  	v7 =	vld [tilespmem:s24+$0x3200];
	[tilespmem:s25+$0xFA00] =	vst v5;
	v1 =	vadd.f32 v3, v1  }
0x38: {  	v3 =	vld [tilespmem:s24+$0x1C200]  }
0x39: {  	v5 =	vld [tilespmem:s24+$0x3210];
	[tilespmem:s25+$0xFA10] =	vst v1;
	v0 =	vadd.f32 v4, v0  }
0x3a: {  	v1 =	vld [tilespmem:s24+$0x1C210]  }
0x3b: {  	v4 =	vld [tilespmem:s24+$0x3220];
	[tilespmem:s25+$0xFA20] =	vst v0  }
0x3c: {  	v0 =	vld [tilespmem:s24+$0x1C220];
	_ =	sdelay $0x1  }
0x3d: {  	v2 =	vadd.f32 v6, v2  }
0x3e: {  	v3 =	vadd.f32 v3, v7  }
0x3f: {  	[tilespmem:s24+$0xFA30] =	vst v2;
	v1 =	vadd.f32 v1, v5  }
0x40: {  	[tilespmem:s24+$0xFA00] =	vst v3;
	v0 =	vadd.f32 v0, v4  }
0x41: {  	[tilespmem:s24+$0xFA10] =	vst v1  }
0x42: {  	[tilespmem:s24+$0xFA20] =	vst v0  }
0x43: {  	v2 =	vld [tilespmem:s23+$0x6430]  }
0x44: {  	v4 =	vld [tilespmem:s23+$0x1C230]  }
0x45: {  	v5 =	vld [tilespmem:s23+$0x6400]  }
0x46: {  	v6 =	vld [tilespmem:s23+$0x1C200]  }
0x47: {  	v1 =	vld [tilespmem:s23+$0x6410]  }
0x48: {  	v3 =	vld [tilespmem:s23+$0x1C210]  }
0x49: {  	v0 =	vld [tilespmem:s23+$0x6420];
	v7 =	vadd.f32 v4, v2  }
0x4a: {  	s24 =	simm.s32 $0x40;
	v4 =	vld [tilespmem:s23+$0x1C220]  }
0x4b: {  	s25 =	simm.s32 $0x200;
	v2 =	vld [tilespmem:s24+$0x6430];
	v5 =	vadd.f32 v6, v5;
	[tilespmem:s23+$0x12C30] =	vst v7  }
.LBB2_5:
0x4c: {  	p1 =	sne.s32 s25, $0xC700;
	v6 =	vld [tilespmem:s24+$0x1C230]  }
0x4d: {  	v7 =	vld [tilespmem:s24+$0x6400];
	[tilespmem:s23+$0x12C00] =	vst v5;
	v3 =	vadd.f32 v3, v1  }
0x4e: {  	v5 =	vld [tilespmem:s24+$0x1C200]  }
.Ltmp3:
0x4f: {  	v1 =	vld [tilespmem:s24+$0x6410];
	[tilespmem:s23+$0x12C10] =	vst v3;
	v4 =	vadd.f32 v4, v0;
	(pc) =	sbr.rel @p1 .LBB2_5-.Ltmp3, $4  }
0x50: {  	v3 =	vld [tilespmem:s24+$0x1C210]  }
0x51: {  	v0 =	vld [tilespmem:s24+$0x6420];
	v6 =	vadd.f32 v6, v2;
	[tilespmem:s23+$0x12C20] =	vst v4;
	s23 =	smov.u32 s24  }
0x52: {  	s24 =	sshra.s32 s25, $0x2;
	v4 =	vld [tilespmem:s23+$0x1C220]  }
0x53: {  	s25 =	sadd.s32 $0x100, s25;
	v2 =	vld [tilespmem:s24+$0x6430];
	v5 =	vadd.f32 v5, v7;
	[tilespmem:s23+$0x12C30] =	vst v6  }
0x54: {  	v6 =	vld [tilespmem:s24+$0x1C230]  }
0x55: {  	v7 =	vld [tilespmem:s24+$0x6400];
	[tilespmem:s23+$0x12C00] =	vst v5;
	v1 =	vadd.f32 v3, v1  }
0x56: {  	v62 =	vld [tilespmem:s24+$0x1C200]  }
0x57: {  	v5 =	vld [tilespmem:s24+$0x6410];
	[tilespmem:s23+$0x12C10] =	vst v1;
	v0 =	vadd.f32 v4, v0  }
0x58: {  	v1 =	vld [tilespmem:s24+$0x1C210]  }
0x59: {  	v63 =	vld [tilespmem:s24+$0x6420];
	[tilespmem:s23+$0x12C20] =	vst v0  }
0x5a: {  	v0 =	vld [tilespmem:s24+$0x1C220];
	_ =	sdelay $0x1  }
0x5b: {  	v2 =	vadd.f32 v6, v2  }
0x5c: {  	p1 =	sne.s32 s22, $0xF;
	s23 =	smul.u32 $0x320, s22;
	v3 =	vadd.f32 v62, v7  }
.Ltmp4:
0x5d: {  	[tilespmem:s24+$0x12C30] =	vst v2;
	v1 =	vadd.f32 v1, v5;
	(pc) =	sbr.rel @p1 .LBB2_8-.Ltmp4, $4  }
0x5e: {  	s25 =	sadd.s32 s4, s23;
	[tilespmem:s24+$0x12C00] =	vst v3;
	v0 =	vadd.f32 v0, v63  }
0x5f: {  	s25 =	sshll.u32 s25, $0x3;
	[tilespmem:s24+$0x12C10] =	vst v1  }
0x60: {  	s31 =	sadd.s32 s2, s25;
	[tilespmem:s24+$0x12C20] =	vst v0  }
0x61: {  	[hbm4b:s31+s3] =	stream.linear.scatter [tilespmem:s16], [sflag:$0x3], $0x6400, $0x38;
	[tilespmem:$0x1F400] =	vst v63  }
.Ltmp5:
0x62: {  	(pc) =	sbr.rel .LBB2_9-.Ltmp5, $4  }
0x63: {  	_ = 	snop  }
0x64: {  	_ =	swait.ge [sflag:s17], $0x6400  }
0x65: {  	[sflag:s17] =	ssyncset.done $0x0  }
0x66: {  	[sflag:s17] =	ssyncadd.s32 $0xFFFF9C00  }
.LBB2_8:
0x67: {  	s24 =	smul.u32 $0xC80, s22;
	_ =	sdelay $0x1  }
0x68: {  	s24 =	sshra.s32 s24, $0x2  }
.Ltmp6:
0x69: {  	s24 =	sadd.s32 $0x320, s24;
	(pc) =	sbr.rel @p0 .LBB2_10-.Ltmp6, $4  }
0x6a: {  	[tilespmem:s13], [sflag:$0x1] =	stream.indirect.gather [hbm4b:s5+s12], $0x40, s24, s12, $0xb8;
	[tilespmem:$0x1F400] =	vst v63  }
0x6b: {  	_ =	swait.ge [sflag:s17], $0x6400  }
0x6c: {  	[sflag:s17] =	ssyncset.done $0x0  }
0x6d: {  	[sflag:s17] =	ssyncadd.s32 $0xFFFF9C00  }
.LBB2_9:
0x6e: {  	_ =	swait.ge [sflag:s18], $0x6400  }
0x6f: {  	[sflag:s18] =	ssyncset.done $0x0  }
0x70: {  	[sflag:s18] =	ssyncadd.s32 $0xFFFF9C00  }
.LBB2_10:
0x71: {  	s24 =	simm.s32 $0x0  }
0x72: {  	v2 =	vld [tilespmem:s24+$0x9630]  }
0x73: {  	v4 =	vld [tilespmem:s24+$0x1C230]  }
0x74: {  	v5 =	vld [tilespmem:s24+$0x9600]  }
0x75: {  	v6 =	vld [tilespmem:s24+$0x1C200]  }
0x76: {  	v1 =	vld [tilespmem:s24+$0x9610]  }
0x77: {  	v3 =	vld [tilespmem:s24+$0x1C210]  }
0x78: {  	v0 =	vld [tilespmem:s24+$0x9620];
	v7 =	vadd.f32 v4, v2  }
0x79: {  	s25 =	simm.s32 $0x40;
	v4 =	vld [tilespmem:s24+$0x1C220]  }
0x7a: {  	s28 =	simm.s32 $0x200;
	s26 =	simm.s32 $0x0;
	v2 =	vld [tilespmem:s25+$0x9630];
	v5 =	vadd.f32 v6, v5;
	[tilespmem:s24+$0x15E30] =	vst v7  }
.LBB2_11:
0x7b: {  	p0 =	sne.s32 s28, $0xC700;
	v6 =	vld [tilespmem:s25+$0x1C230]  }
0x7c: {  	v7 =	vld [tilespmem:s25+$0x9600];
	[tilespmem:s26+$0x15E00] =	vst v5;
	v3 =	vadd.f32 v3, v1  }
0x7d: {  	v5 =	vld [tilespmem:s25+$0x1C200]  }
.Ltmp7:
0x7e: {  	v1 =	vld [tilespmem:s25+$0x9610];
	[tilespmem:s26+$0x15E10] =	vst v3;
	v4 =	vadd.f32 v4, v0;
	(pc) =	sbr.rel @p0 .LBB2_11-.Ltmp7, $4  }
0x7f: {  	v3 =	vld [tilespmem:s25+$0x1C210]  }
0x80: {  	v0 =	vld [tilespmem:s25+$0x9620];
	v6 =	vadd.f32 v6, v2;
	[tilespmem:s26+$0x15E20] =	vst v4;
	s26 =	smov.u32 s25  }
0x81: {  	s25 =	sshra.s32 s28, $0x2;
	v4 =	vld [tilespmem:s26+$0x1C220]  }
0x82: {  	s28 =	sadd.s32 $0x100, s28;
	v2 =	vld [tilespmem:s25+$0x9630];
	v5 =	vadd.f32 v5, v7;
	[tilespmem:s26+$0x15E30] =	vst v6  }
0x83: {  	v6 =	vld [tilespmem:s25+$0x1C230]  }
0x84: {  	v7 =	vld [tilespmem:s25+$0x9600];
	[tilespmem:s26+$0x15E00] =	vst v5;
	v1 =	vadd.f32 v3, v1  }
0x85: {  	v3 =	vld [tilespmem:s25+$0x1C200]  }
0x86: {  	v5 =	vld [tilespmem:s25+$0x9610];
	[tilespmem:s26+$0x15E10] =	vst v1;
	v0 =	vadd.f32 v4, v0  }
0x87: {  	v1 =	vld [tilespmem:s25+$0x1C210]  }
0x88: {  	v4 =	vld [tilespmem:s25+$0x9620];
	[tilespmem:s26+$0x15E20] =	vst v0  }
0x89: {  	v0 =	vld [tilespmem:s25+$0x1C220];
	_ =	sdelay $0x1  }
0x8a: {  	v2 =	vadd.f32 v6, v2  }
0x8b: {  	v3 =	vadd.f32 v3, v7  }
0x8c: {  	[tilespmem:s25+$0x15E30] =	vst v2;
	v1 =	vadd.f32 v1, v5  }
0x8d: {  	[tilespmem:s25+$0x15E00] =	vst v3;
	v0 =	vadd.f32 v0, v4  }
0x8e: {  	[tilespmem:s25+$0x15E10] =	vst v1  }
0x8f: {  	[tilespmem:s25+$0x15E20] =	vst v0  }
0x90: {  	v2 =	vld [tilespmem:s24+$0xC830]  }
0x91: {  	v4 =	vld [tilespmem:s24+$0x1C230]  }
0x92: {  	v5 =	vld [tilespmem:s24+$0xC800]  }
0x93: {  	v6 =	vld [tilespmem:s24+$0x1C200]  }
0x94: {  	v1 =	vld [tilespmem:s24+$0xC810]  }
0x95: {  	v3 =	vld [tilespmem:s24+$0x1C210]  }
0x96: {  	v0 =	vld [tilespmem:s24+$0xC820];
	v7 =	vadd.f32 v4, v2  }
0x97: {  	s25 =	simm.s32 $0x40;
	v4 =	vld [tilespmem:s24+$0x1C220]  }
0x98: {  	s26 =	simm.s32 $0x200;
	v2 =	vld [tilespmem:s25+$0xC830];
	v5 =	vadd.f32 v6, v5;
	[tilespmem:s24+$0x19030] =	vst v7  }
.LBB2_13:
0x99: {  	p0 =	sne.s32 s26, $0xC700;
	v6 =	vld [tilespmem:s25+$0x1C230]  }
0x9a: {  	v7 =	vld [tilespmem:s25+$0xC800];
	[tilespmem:s24+$0x19000] =	vst v5;
	v3 =	vadd.f32 v3, v1  }
0x9b: {  	v5 =	vld [tilespmem:s25+$0x1C200]  }
.Ltmp8:
0x9c: {  	v1 =	vld [tilespmem:s25+$0xC810];
	[tilespmem:s24+$0x19010] =	vst v3;
	v4 =	vadd.f32 v4, v0;
	(pc) =	sbr.rel @p0 .LBB2_13-.Ltmp8, $4  }
0x9d: {  	v3 =	vld [tilespmem:s25+$0x1C210]  }
0x9e: {  	v0 =	vld [tilespmem:s25+$0xC820];
	v6 =	vadd.f32 v6, v2;
	[tilespmem:s24+$0x19020] =	vst v4;
	s24 =	smov.u32 s25  }
0x9f: {  	s25 =	sshra.s32 s26, $0x2;
	v4 =	vld [tilespmem:s24+$0x1C220]  }
0xa0: {  	s26 =	sadd.s32 $0x100, s26;
	v2 =	vld [tilespmem:s25+$0xC830];
	v5 =	vadd.f32 v5, v7;
	[tilespmem:s24+$0x19030] =	vst v6  }
0xa1: {  	v6 =	vld [tilespmem:s25+$0x1C230]  }
0xa2: {  	v7 =	vld [tilespmem:s25+$0xC800];
	[tilespmem:s24+$0x19000] =	vst v5;
	v1 =	vadd.f32 v3, v1  }
0xa3: {  	v62 =	vld [tilespmem:s25+$0x1C200]  }
0xa4: {  	v5 =	vld [tilespmem:s25+$0xC810];
	[tilespmem:s24+$0x19010] =	vst v1;
	v0 =	vadd.f32 v4, v0  }
0xa5: {  	v1 =	vld [tilespmem:s25+$0x1C210]  }
0xa6: {  	v63 =	vld [tilespmem:s25+$0xC820];
	[tilespmem:s24+$0x19020] =	vst v0  }
0xa7: {  	v0 =	vld [tilespmem:s25+$0x1C220];
	_ =	sdelay $0x1  }
0xa8: {  	v2 =	vadd.f32 v6, v2  }
0xa9: {  	p0 =	seq.s32 s22, $0xF;
	v3 =	vadd.f32 v62, v7  }
.Ltmp9:
0xaa: {  	s23 =	sadd.s32 s23, s8;
	[tilespmem:s25+$0x19030] =	vst v2;
	v1 =	vadd.f32 v1, v5;
	(pc) =	sbr.rel @p0 .LBB2_16-.Ltmp9, $4  }
0xab: {  	s23 =	sshll.u32 s23, $0x3;
	[tilespmem:s25+$0x19000] =	vst v3;
	v0 =	vadd.f32 v0, v63  }
0xac: {  	s23 =	sand.u32 $0x1FFFFF80, s23;
	[tilespmem:s25+$0x19010] =	vst v1  }
0xad: {  	s23 =	sadd.s32 s2, s23;
	[tilespmem:s25+$0x19020] =	vst v0  }
0xae: {  	[hbm4b:s23+s3] =	stream.linear.scatter [tilespmem:s19], [sflag:$0x4], $0x6400, $0x38;
	[tilespmem:$0x1F400] =	vst v63  }
0xaf: {  	s23 =	smul.u32 $0xC80, s22  }
.Ltmp10:
0xb0: {  	_ = 	snop;
	(pc) =	sbr.rel .LBB2_2-.Ltmp10, $4  }
0xb1: {  	_ = 	snop  }
0xb2: {  	s23 =	sshra.s32 s23, $0x2  }
0xb3: {  	s22 =	sadd.s32 $0x1, s22;
	s23 =	sadd.s32 $0x4B0, s23  }
0xb4: {  	[tilespmem:s14], [sflag:$0x2] =	stream.indirect.gather [hbm4b:s5+s12], $0x40, s23, s12, $0xb8;
	[tilespmem:$0x1F400] =	vst v63  }
.LBB2_17:
0xb5: {  	_ =	sfence.sel $0x180000  }
0xb6: {  	[bflag:$0x0] =	sbarrier.arrive $0xFFFF  }
0xb7: {  	p0 =	sne.s32 s0, $0x0;
	_ =	strace $0x90000047  }
0xb8: {  	s0 =	sadd.s32 @!p0 $0x100000, s1;
	[bflag:$0x2] =	sbarrier.arrive $0xFFFF  }
0xb9: {  	[sflag:s0] =	ssyncadd.tile.s32 @!p0 $0x1;
	_ =	shalt  }
.Lfunc_end2:
_tile_overlayer_lowered:
.L_overlay_start_2:
0xba: {  	(tag) =	ssettag $0x2  }
0xbb: {  	s0 =	rddreg [dreg:$0x0];
	s2 =	stileid.u32  }
0xbc: {  	s1 =	rddreg [dreg:$0x1];
	p0 =	sne.s32 s2, $0x0  }
0xbd: {  	s3 =	rddreg [dreg:$0x2];
	[bflag:$0x3] =	sbarrier.arrive $0xFFFF;
	s2 =	simm.s32 @!p0 $0x1C05  }
0xbe: {  	[timem:s3], [sflag:s2] =	dma.local @!p0 [hbm:s0], s1  }
0xbf: {  	s0 =	simm.s32 @!p0 $0x5  }
0xc0: {  	_ =	swait.ge @!p0 [sflag:s0], s1  }
0xc1: {  	s1 =	ssub.s32 @!p0 $0x0, s1;
	[sflag:s0] =	ssyncset.done @!p0 $0x0  }
0xc2: {  	[sflag:s0] =	ssyncadd.s32 @!p0 s1  }
0xc3: {  	[bflag:$0x3] =	sbarrier.arrive $0xFFFF  }
0xc4: {  	_ =	shalt  }

// kernel: sparse-core-data-format-call.cloned.1.call-start
scs
called_computation_lowered:
.L_overlay_start_0:
0x0: {  	s2 =	sld [smem:$0x3FD9]  }
0x1: {  	s3 =	sld [smem:$0x3FFE];
	_ =	sdelay $0x1  }
0x2: {  	s1 =	srdreg.scid  }
0x3: {  	s0 =	sand.u32 $0x1, s1  }
0x4: {  	s18 =	sshll.u32 s0, $0xA;
	s2 =	sadd.s32 s3, s2  }
0x5: {  	s2 =	sadd.s32 s2, s18  }
0x6: {  	[smem:$0x3FC5] =	sst s2  }
0x7: {  	_ = 	snop  }
0x8: {  	s2 =	sld [smem:$0x3FD0];
	(tm) =	ssettm $0x1  }
0x9: {  	s19 =	sld [smem:$0x3FFB];
	_ =	sdelay $0x3  }
0xa: {  	_ =	strace s19  }
0xb: {  	s3 =	sld [smem:$0x3FFC];
	_ =	sdelay $0x3  }
0xc: {  	_ =	strace s3  }
0xd: {  	s3 =	sld [smem:$0x3FFD];
	_ =	sdelay $0x3  }
0xe: {  	_ =	strace s3  }
0xf: {  	_ =	strace $0x8FFFFFFF  }
0x10: {  	s20 =	sld [smem:$0x3FDB];
	_ =	sdelay $0x1  }
0x11: {  	s4 =	simm.s32 $_scs_section_size  }
0x12: {  	s5 =	simm.s32 $_size__tile_overlayer_lowered;
	s6 =	simm.s32 $_tile_overlayer_lowered  }
0x13: {  	s23 =	simm.s32 $0x1BFF;
	s22 =	sshll.u32 s6, $0x1;
	s3 =	sadd.s32 s4, s20  }
0x14: {  	s7 =	simm.s32 $0x0;
	s21 =	sshll.u32 s5, $0x1;
	s5 =	sadd.s32 s22, s3  }
0x15: {  	[timem:s7], [sflag:s23] =	dma.local [hbm:s5], s21  }
0x16: {  	_ =	swait.ge [sflag:s23], s21  }
0x17: {  	s4 =	ssub.s32 $0x0, s21;
	[sflag:s23] =	ssyncset.done $0x0  }
0x18: {  	[sflag:s23] =	ssyncadd.s32 s4;
	_ =	sdelay $0x1  }
0x19: {  	s24 =	simm.s32 $0x1B8B  }
0x1a: {  	_ =	swait.ge [sflag:s24], $0x1  }
0x1b: {  	[sflag:s24] =	ssyncset.done $0x0  }
0x1c: {  	s26 =	simm.s32 $0x1B8E;
	s25 =	sld [smem:$0x3FFE];
	[sflag:s24] =	ssyncadd.s32 $0xFFFFFFFF  }
0x1d: {  	s27 =	simm.s32 $execute0_lowered;
	[smem:$0x3FD2] =	sst s26  }
0x1e: {  	s5 =	sshll.u32 s27, $0x1;
	_ =	strace $0x80000049;
	[dreg:$0x1] =	wrdreg $0xFFFFFFFF  }
0x1f: {  	s28 =	simm.s32 $_size_execute0_lowered;
	s3 =	sadd.s32 s3, s5;
	[dreg:$0x0] =	wrdreg $0x0  }
0x20: {  	s5 =	sshll.u32 s28, $0x1;
	[dreg:$0x2] =	wrdreg s3  }
0x21: {  	[dreg:$0x3] =	wrdreg s5  }
0x22: {  	[dreg:$0x4] =	wrdreg $0xC0  }
0x23: {  	_ =	task [dreg:s7], $0x5FFFF  }
0x24: {  	[dreg:$0x1] =	wrdreg $0xFFFFFFFF  }
0x25: {  	[dreg:$0x0] =	wrdreg $0x60  }
0x26: {  	[dreg:$0x2] =	wrdreg s25  }
0x27: {  	[dreg:$0x3] =	wrdreg s2  }
0x28: {  	[dreg:$0x4] =	wrdreg $0x9  }
0x29: {  	_ =	task.clear_ibuf [dreg:s7], $0x5FFFF;
	_ =	strace $0x90000049  }
0x2a: {  	s29 =	simm.s32 $0x9;
	_ =	strace $0x8000004B  }
0x2b: {  	_ =	swait.ge [sflag:s29], $0x1  }
0x2c: {  	[sflag:s29] =	ssyncadd.s32 $0xFFFFFFFF  }
0x2d: {  	_ =	strace $0x9000004B  }
0x2e: {  	_ =	sfence  }
0x2f: {  	s30 =	sld [smem:$0x0];
	_ =	sdelay $0x2  }
0x30: {  	s31 =	sshll.u32 s1, $0xD;
	s1 =	sshrl.u32 s1, $0x2  }
0x31: {  	s3 =	sand.u32 $0x4000, s31;
	s1 =	sadd.s32 s1, s30  }
0x32: {  	s0 =	sor.u32 s3, s0;
	s1 =	sshll.u32 s1, $0x11  }
0x33: {  	s0 =	sor.u32 s1, s0  }
0x34: {  	s0 =	sadd.s32 $0x8F2B, s0  }
0x35: {  	[sflag:s0] =	ssyncadd.remote.s32 $0x1  }
0x36: {  	_ =	sfence.sel $0xFFFF  }
0x37: {  	[dreg:$0x0] =	wrdreg $0xFFFFFFFF;
	(pc) =	sbr.abs _section_cstart, $3  }
0x38: {  	[dreg:$0x1] =	wrdreg $0xFFFFFFFF  }
0x39: {  	_ =	task.clear_ibuf [dreg:s7], $0x2FFFF;
	_ =	strace $0x9FFFFFFF  }
0x3a: {  	(tm) =	ssettm $0x7FFFFFFF  }
0x3b: {  	_ =	shalt  }
tec
execute0_lowered:
.L_overlay_start_1:
0x0: {  	(tag) =	ssettag $0x1  }
0x1: {  	s0 =	srdreg.scid  }
0x2: {  	s1 =	sshll.u32 s0, $0x4  }
0x3: {  	s0 =	stileid.u32;
	s1 =	sand.u32 $0x10, s1  }
0x4: {  	s6 =	rddreg [dreg:$0x0];
	s1 =	sor.u32 s0, s1  }
0x5: {  	s4 =	simm.s32 $0x1;
	s7 =	simm.s32 $0x2;
	s2 =	sshll.u32 s1, $0x5  }
0x6: {  	s14 =	simm.s32 $0x0;
	s8 =	simm.s32 $0x1000;
	s1 =	ssub.s32 $0x800, s2  }
0x7: {  	s9 =	simm.s32 $0x40000;
	s10 =	simm.s32 $0x0;
	s3 =	sand.u32 $0x3E0, s1  }
0x8: {  	s15 =	simm.s32 $0x0;
	s5 =	sshrl.u32 s1, $0xA;
	p0 =	sne.s32 s3, $0x0  }
.Ltmp0:
0x9: {  	s1 =	rddreg [dreg:$0x2];
	s4 =	simm.s32 @!p0 $0x0;
	(pc) =	sbr.rel .LBB1_1-.Ltmp0, $4  }
0xa: {  	s11 =	simm.s32 $0x0;
	s3 =	rddreg [dreg:$0x1];
	s5 =	sadd.s32 s4, s5  }
0xb: {  	_ =	strace $0x8000004A;
	s4 =	simm.s32 $0x1;
	s5 =	smul.u32 $0x19, s5  }
0xc: {  	s13 =	simm.s32 $0x0;
	s6 =	sadd.s32 $0x400, s6;
	[sflag:s4] =	ssyncpa.u1 $0x0  }
0xd: {  	s12 =	smov.u32 s2;
	[sflag:s7] =	ssyncpa.u1 $0x0;
	s7 =	sadd.s32 $0x1, s5  }
.LBB1_7:
0xe: {  	s16 =	sadd.s32 $0x4, s11  }
0xf: {  	s14 =	sadd.s32 $0x400, s12;
	s18 =	smov.u32 s12;
	p1 =	sgt.s32 s16, $0x63  }
0x10: {  	s18 =	smov.u32 @p1 s14  }
0x11: {  	s16 =	simm.s32 @p1 $0x0;
	p1 =	sgt.s32 s18, $0x7FF  }
0x12: {  	s18 =	smov.u32 @p1 s2;
	p1 =	sne.s32 s13, s7  }
.Ltmp1:
0x13: {  	p0 =	slt.u32 s13, $0x2;
	(pc) =	sbr.rel @!p1 .LBB1_8-.Ltmp1, $4  }
0x14: {  	s17 =	simm.s32 @!p0 $0x2  }
0x15: {  	s15 =	smov.u32 s12;
	s10 =	sadd.s32 $0x4000, s10;
	_ =	swait.ge @!p0 [sflag:s17], $0x4000  }
0x16: {  	s14 =	smov.u32 s11;
	[sflag:s17] =	ssyncset.done @!p0 $0x0;
	s11 =	smov.u32 s16  }
0x17: {  	s13 =	sadd.s32 $0x1, s13;
	[sflag:s17] =	ssyncadd.s32 @!p0 $0xFFFFC000;
	s12 =	smov.u32 s18  }
.LBB1_1:
0x18: {  	p0 =	sge.u32 s13, s5  }
0x19: {  	s16 =	sand.u32 @!p0 $0x1FFFFFF, s11  }
0x1a: {  	s17 =	smulhi.u32 @!p0 $0x2762763, s16;
	_ =	sdelay $0x1  }
0x1b: {  	s17 =	smul.u32 @!p0 $0x68, s17  }
0x1c: {  	s18 =	sxor.u32 @!p0 $0xFFFFFFFF, s13;
	s19 =	smul.u32 @!p0 $0x680, s12  }
0x1d: {  	s31 =	sadd.s32 $0xFFFFFFFF, s13;
	s18 =	sshll.u32 @!p0 s18, $0xE;
	s16 =	ssub.s32 @!p0 s16, s17  }
0x1e: {  	s17 =	sand.u32 @!p0 $0x4000, s18;
	s18 =	sadd.s32 @!p0 s6, s19;
	s16 =	sshll.u32 @!p0 s16, $0x4  }
0x1f: {  	s19 =	simm.s32 @!p0 $0x3400;
	s16 =	sadd.s32 @!p0 s16, s18;
	s18 =	simm.s32 @!p0 $0x200  }
0x20: {  	[tilespmem:s17], [sflag:$0x1] =	stream.strided.gather @!p0 [hbm4b:s16+s18], $0x4000, s19, s18, $0x38;
	[tilespmem:$0x10000] =	vst v63  }
0x21: {  	p0 =	sge.u32 s31, s5  }
.Ltmp2:
0x22: {  	_ = 	snop;
	(pc) =	sbr.rel @p0 .LBB1_7-.Ltmp2, $1  }
0x23: {  	_ =	sdelay $0x3  }
0x24: {  	s17 =	sand.u32 $0x4000, s10  }
0x25: {  	_ =	swait.ge [sflag:s4], $0x4000;
	s19 =	sshll.u32 s13, $0xE;
	s16 =	sor.u32 $0x8040, s17  }
0x26: {  	s18 =	sor.u32 $0x40, s17;
	[sflag:s4] =	ssyncset.done $0x0;
	s31 =	sand.u32 $0x4000, s19  }
0x27: {  	s19 =	simm.s32 $0x0;
	[sflag:s4] =	ssyncadd.s32 $0xFFFFC000;
	s17 =	sor.u32 $0x8000, s31  }
.LBB1_3:
0x28: {  	v0 =	vmov s18;
	_ =	sdelay $0x3  }
0x29: {  	s21 =	simm.s32 $0x0  }
0x2a: {  	v6 =	vld.idx.msk [tilespmem:v0+s21+$0x30 ss:$0x1], $0xffff  }
0x2b: {  	v7 =	vld.idx.msk [tilespmem:v0+s21+$0xFFFFFFC0 ss:$0x1], $0xffff  }
0x2c: {  	v5 =	vld.idx.msk [tilespmem:v0+s21+$0xFFFFFFD0 ss:$0x1], $0xffff  }
0x2d: {  	v4 =	vld.idx.msk [tilespmem:v0+s21+$0xFFFFFFE0 ss:$0x1], $0xffff  }
0x2e: {  	v3 =	vld.idx.msk [tilespmem:v0+s21+$0xFFFFFFF0 ss:$0x1], $0xffff  }
0x2f: {  	v1 =	vld.idx.msk [tilespmem:v0+s21+$0x0 ss:$0x1], $0xffff  }
0x30: {  	v2 =	vld.idx.msk [tilespmem:v0+s21+$0x10 ss:$0x1], $0xffff;
	[tilespmem:s16+$0x30] =	vst v6  }
0x31: {  	s20 =	simm.s32 $0x80;
	s22 =	simm.s32 $0x400;
	[tilespmem:s16+$0xFFFFFFC0] =	vst v7;
	v6 =	vld.idx.msk [tilespmem:v0+s21+$0x20 ss:$0x1], $0xffff;
	s21 =	smov.u32 s16  }
.LBB1_4:
0x32: {  	p0 =	sne.s32 s22, $0x600;
	v7 =	vld.idx.msk [tilespmem:v0+s20+$0x30 ss:$0x1], $0xffff;
	[tilespmem:s21+$0xFFFFFFD0] =	vst v5  }
0x33: {  	v8 =	vld.idx.msk [tilespmem:v0+s20+$0xFFFFFFC0 ss:$0x1], $0xffff;
	[tilespmem:s21+$0xFFFFFFE0] =	vst v4  }
0x34: {  	v5 =	vld.idx.msk [tilespmem:v0+s20+$0xFFFFFFD0 ss:$0x1], $0xffff;
	[tilespmem:s21+$0xFFFFFFF0] =	vst v3  }
.Ltmp3:
0x35: {  	v4 =	vld.idx.msk [tilespmem:v0+s20+$0xFFFFFFE0 ss:$0x1], $0xffff;
	[tilespmem:s21+$0x0] =	vst v1;
	(pc) =	sbr.rel @p0 .LBB1_4-.Ltmp3, $4  }
0x36: {  	v3 =	vld.idx.msk [tilespmem:v0+s20+$0xFFFFFFF0 ss:$0x1], $0xffff;
	[tilespmem:s21+$0x10] =	vst v2  }
0x37: {  	v1 =	vld.idx.msk [tilespmem:v0+s20+$0x0 ss:$0x1], $0xffff;
	[tilespmem:s21+$0x20] =	vst v6;
	s21 =	sadd.s32 $0x1000, s21  }
0x38: {  	v2 =	vld.idx.msk [tilespmem:v0+s20+$0x10 ss:$0x1], $0xffff;
	[tilespmem:s21+$0x30] =	vst v7  }
0x39: {  	[tilespmem:s21+$0xFFFFFFC0] =	vst v8;
	v6 =	vld.idx.msk [tilespmem:v0+s20+$0x20 ss:$0x1], $0xffff;
	s20 =	sshra.s32 s22, $0x2;
	s22 =	sadd.s32 $0x200, s22  }
0x3a: {  	_ =	sdelay $0x2  }
0x3b: {  	[tilespmem:s21+$0xFFFFFFD0] =	vst v5  }
0x3c: {  	v56 =	vld.idx.msk [tilespmem:v0+s20+$0x30 ss:$0x1], $0xffff;
	[tilespmem:s21+$0xFFFFFFE0] =	vst v4  }
0x3d: {  	v57 =	vld.idx.msk [tilespmem:v0+s20+$0xFFFFFFC0 ss:$0x1], $0xffff;
	[tilespmem:s21+$0xFFFFFFF0] =	vst v3  }
0x3e: {  	v58 =	vld.idx.msk [tilespmem:v0+s20+$0xFFFFFFD0 ss:$0x1], $0xffff;
	[tilespmem:s21+$0x0] =	vst v1  }
0x3f: {  	v59 =	vld.idx.msk [tilespmem:v0+s20+$0xFFFFFFE0 ss:$0x1], $0xffff;
	[tilespmem:s21+$0x10] =	vst v2  }
0x40: {  	v60 =	vld.idx.msk [tilespmem:v0+s20+$0xFFFFFFF0 ss:$0x1], $0xffff;
	s31 =	sadd.s32 $0x1000, s21;
	[tilespmem:s21+$0x20] =	vst v6  }
0x41: {  	v61 =	vld.idx.msk [tilespmem:v0+s20+$0x0 ss:$0x1], $0xffff;
	[tilespmem:s31+$0x30] =	vst v56  }
0x42: {  	v62 =	vld.idx.msk [tilespmem:v0+s20+$0x10 ss:$0x1], $0xffff;
	s19 =	sadd.s32 $0x1, s19;
	[tilespmem:s31+$0xFFFFFFC0] =	vst v57  }
0x43: {  	v63 =	vld.idx.msk [tilespmem:v0+s20+$0x20 ss:$0x1], $0xffff;
	p0 =	sne.s32 s19, $0x20;
	[tilespmem:s31+$0xFFFFFFD0] =	vst v58  }
.Ltmp4:
0x44: {  	[tilespmem:s31+$0xFFFFFFE0] =	vst v59;
	(pc) =	sbr.rel @p0 .LBB1_3-.Ltmp4, $4  }
0x45: {  	[tilespmem:s31+$0xFFFFFFF0] =	vst v60  }
0x46: {  	[tilespmem:s31+$0x0] =	vst v61  }
0x47: {  	[tilespmem:s31+$0x10] =	vst v62  }
0x48: {  	s16 =	sadd.s32 $0x80, s16;
	s18 =	sadd.s32 $0x200, s18;
	[tilespmem:s31+$0x20] =	vst v63  }
.Ltmp5:
0x49: {  	s15 =	sshll.u32 s15, $0x4;
	(pc) =	sbr.rel .LBB1_7-.Ltmp5, $4  }
0x4a: {  	s15 =	sand.u32 $0x7FF0, s15  }
0x4b: {  	s14 =	sshll.u32 s14, $0xF;
	s15 =	sadd.s32 s3, s15  }
0x4c: {  	s14 =	sadd.s32 s14, s15  }
0x4d: {  	[hbm4b:s14+s8] =	stream.strided.scatter [tilespmem:s17], [sflag:$0x2], $0x4000, s9, s8, $0x38;
	[tilespmem:$0x10000] =	vst v63  }
.LBB1_8:
0x4e: {  	_ =	sfence.sel $0x180000  }
0x4f: {  	s2 =	simm.s32 $0x1;
	[bflag:$0x0] =	sbarrier.arrive $0xFFFF  }
0x50: {  	s31 =	simm.s32 $0x2;
	[sflag:s2] =	ssyncpa.u1 $0x1  }
0x51: {  	[sflag:s31] =	ssyncpa.u1 $0x1  }
0x52: {  	p0 =	sne.s32 s0, $0x0;
	_ =	strace $0x9000004A  }
0x53: {  	s0 =	sadd.s32 @!p0 $0x100000, s1;
	[bflag:$0x2] =	sbarrier.arrive $0xFFFF  }
0x54: {  	[sflag:s0] =	ssyncadd.tile.s32 @!p0 $0x1;
	_ =	shalt  }
.Lfunc_end1:
_tile_overlayer_lowered:
.L_overlay_start_2:
0x55: {  	(tag) =	ssettag $0x2  }
0x56: {  	s0 =	rddreg [dreg:$0x0];
	s2 =	stileid.u32  }
0x57: {  	s1 =	rddreg [dreg:$0x1];
	p0 =	sne.s32 s2, $0x0  }
0x58: {  	s3 =	rddreg [dreg:$0x2];
	[bflag:$0x3] =	sbarrier.arrive $0xFFFF;
	s2 =	simm.s32 @!p0 $0x1C01  }
0x59: {  	[timem:s3], [sflag:s2] =	dma.local @!p0 [hbm:s0], s1  }
0x5a: {  	s0 =	simm.s32 @!p0 $0x1  }
0x5b: {  	_ =	swait.ge @!p0 [sflag:s0], s1  }
0x5c: {  	s1 =	ssub.s32 @!p0 $0x0, s1;
	[sflag:s0] =	ssyncset.done @!p0 $0x0  }
0x5d: {  	[sflag:s0] =	ssyncadd.s32 @!p0 s1  }
0x5e: {  	[bflag:$0x3] =	sbarrier.arrive $0xFFFF  }
0x5f: {  	_ =	shalt  }

</sc_bundles>
